<compile_context>
chip_gen: v7x
topology: tpu7x:2x2x1
jax: 0.10.2.dev20260603
libtpu: 0.0.44.dev20260713+nightly
codegen_flags: <defaults>
</compile_context>

<pallas_src>
import functools

import jax
import jax.numpy as jnp
from jax import lax
from jax.experimental import pallas as pl
from jax.experimental.pallas import tpu as pltpu
from jax.experimental.pallas import tpu_sc as plsc

_N = 20000
_PAD = 20480
_NC1 = _PAD // 16
_NC2 = _NC1 // 16
_MOUT = 200
_SLOTC = 13
_NEG = -jnp.inf


def _iota16():
    return jax.lax.broadcasted_iota(jnp.int32, (16,), 0)


def _extract_f(chunk, lane):
    sel = (_iota16() == lane).astype(jnp.float32)
    return jnp.sum(chunk * sel)


def _first_lane(mask):
    off = jnp.logical_not(mask).astype(jnp.int32) * 99
    return jnp.min(_iota16() + off)


def _sc_body(x1h, y1h, x2h, y2h, sh, thrh, selh, numh,
             x1, y1, x2, y2, ws, l1, l2, thrv, selv, numv,
             sx1, sy1, sx2, sy2, sa):
    wid = lax.axis_index("s") * 2 + lax.axis_index("c")

    @pl.when(wid == 0)
    def _work():
        pltpu.sync_copy(x1h, x1)
        pltpu.sync_copy(y1h, y1)
        pltpu.sync_copy(x2h, x2)
        pltpu.sync_copy(y2h, y2)
        pltpu.sync_copy(sh, ws)
        pltpu.sync_copy(thrh, thrv)
        it = _iota16()
        thrc = thrv[...]
        iou_thr = jnp.sum(thrc * (it == 0).astype(jnp.float32))
        score_thr = jnp.sum(thrc * (it == 1).astype(jnp.float32))

        zi = jnp.zeros((16,), jnp.int32)
        for k in range(_SLOTC + 3):
            selv[pl.ds(k * 16, 16)] = zi

        def initb(j, _):
            acc = jnp.full((16,), _NEG, jnp.float32)
            for k in range(16):
                cs = pl.ds(j * 256 + k * 16, 16)
                w = ws[cs]
                w = jnp.where(w > score_thr, w, _NEG)
                ws[cs] = w
                mk = jnp.max(w)
                acc = jnp.where(it == k, mk, acc)
            l1[pl.ds(j * 16, 16)] = acc
            return 0

        lax.fori_loop(0, _NC2, initb, 0)

        def initc(c, _):
            acc = jnp.full((16,), _NEG, jnp.float32)
            for k in range(16):
                mk = jnp.max(l1[pl.ds(c * 256 + k * 16, 16)])
                acc = jnp.where(it == k, mk, acc)
            l2[pl.ds(c * 16, 16)] = acc
            return 0

        lax.fori_loop(0, _NC2 // 16, initc, 0)

        def cond(carry):
            num, stop = carry
            return jnp.logical_and(num < _MOUT, jnp.logical_not(stop))

        def body(carry):
            num, stop = carry
            m = jnp.float32(_NEG)
            c_best = jnp.int32(0)
            for c in range(_NC2 // 16):
                mc = jnp.max(l2[pl.ds(c * 16, 16)])
                take = mc > m
                c_best = jnp.where(take, jnp.int32(c), c_best)
                m = jnp.maximum(mc, m)
            valid = m > _NEG
            c16 = pl.multiple_of(c_best * 16, 8)
            l2c = l2[pl.ds(c16, 16)]
            lane2 = _first_lane(l2c == m)
            j2 = c_best * 16 + lane2
            j216 = pl.multiple_of(j2 * 16, 8)
            l1c = l1[pl.ds(j216, 16)]
            lane1 = _first_lane(l1c == m)
            j1 = j2 * 16 + lane1
            j116 = pl.multiple_of(j1 * 16, 8)
            wchunk = ws[pl.ds(j116, 16)]
            lane0 = _first_lane(wchunk == m)
            idx = j1 * 16 + lane0

            b0 = _extract_f(x1[pl.ds(j116, 16)], lane0)
            b1 = _extract_f(y1[pl.ds(j116, 16)], lane0)
            b2 = _extract_f(x2[pl.ds(j116, 16)], lane0)
            b3 = _extract_f(y2[pl.ds(j116, 16)], lane0)
            a = (b2 - b0) * (b3 - b1)

            hitacc = jnp.zeros((16,), jnp.float32)
            for k in range(_SLOTC):
                cs = pl.ds(k * 16, 16)
                xx1 = jnp.maximum(b0, sx1[cs])
                yy1 = jnp.maximum(b1, sy1[cs])
                xx2 = jnp.minimum(b2, sx2[cs])
                yy2 = jnp.minimum(b3, sy2[cs])
                inter = (jnp.clip(xx2 - xx1, 0.0, None)
                         * jnp.clip(yy2 - yy1, 0.0, None))
                union = jnp.maximum(a + sa[cs] - inter, 1e-6)
                iou = inter / union
                hit = (iou >= iou_thr) & ((k * 16 + it) < num)
                hitacc = jnp.maximum(hitacc,
                                     jnp.where(hit, 1.0, jnp.float32(0.0)))
            hitcnt = jnp.max(hitacc)
            accepted = valid & (hitcnt == 0.0) & (num < _MOUT)

            @pl.when(accepted)
            def _store_slot():
                ks = pl.ds(pl.multiple_of((num // 16) * 16, 8), 16)
                lm = it == (num - (num // 16) * 16)
                selv[ks] = jnp.where(lm, idx, selv[ks])
                sx1[ks] = jnp.where(lm, b0, sx1[ks])
                sy1[ks] = jnp.where(lm, b1, sy1[ks])
                sx2[ks] = jnp.where(lm, b2, sx2[ks])
                sy2[ks] = jnp.where(lm, b3, sy2[ks])
                sa[ks] = jnp.where(lm, a, sa[ks])

            @pl.when(valid)
            def _remove():
                w2 = jnp.where(it == lane0, _NEG, wchunk)
                ws[pl.ds(j116, 16)] = w2
                nm1 = jnp.max(w2)
                l1c2 = jnp.where(it == lane1, nm1, l1c)
                l1[pl.ds(j216, 16)] = l1c2
                nm2 = jnp.max(l1c2)
                l2[pl.ds(c16, 16)] = jnp.where(it == lane2, nm2, l2c)

            num = num + accepted.astype(jnp.int32)
            stop = jnp.logical_not(valid)
            return (num, stop)

        num, _ = lax.while_loop(cond, body, (jnp.int32(0), jnp.bool_(False)))
        numv[...] = jnp.where(it == 0, num, 0)
        pltpu.sync_copy(selv, selh)
        pltpu.sync_copy(numv, numh)


def kernel(boxes, scores, max_output_size, iou_threshold, scores_threshold):
    boxes = boxes.astype(jnp.float32)
    scores = scores.astype(jnp.float32)
    n = boxes.shape[0]
    pad = _PAD - n
    bx = jnp.pad(boxes, ((0, pad), (0, 0)))
    s = jnp.pad(scores, (0, pad), constant_values=-jnp.inf)
    thr = jnp.zeros((16,), jnp.float32)
    thr = thr.at[0].set(jnp.asarray(iou_threshold, jnp.float32))
    thr = thr.at[1].set(jnp.asarray(scores_threshold, jnp.float32))

    mesh = plsc.VectorSubcoreMesh(core_axis_name="c", subcore_axis_name="s")
    f = functools.partial(
        pl.kernel, mesh=mesh,
        compiler_params=pltpu.CompilerParams(needs_layout_passes=False),
        out_type=[
            jax.ShapeDtypeStruct(((_SLOTC + 3) * 16,), jnp.int32),
            jax.ShapeDtypeStruct((16,), jnp.int32),
        ],
        scratch_types=[
            pltpu.VMEM((_PAD,), jnp.float32),
            pltpu.VMEM((_PAD,), jnp.float32),
            pltpu.VMEM((_PAD,), jnp.float32),
            pltpu.VMEM((_PAD,), jnp.float32),
            pltpu.VMEM((_PAD,), jnp.float32),
            pltpu.VMEM((_NC1,), jnp.float32),
            pltpu.VMEM((_NC2,), jnp.float32),
            pltpu.VMEM((16,), jnp.float32),
            pltpu.VMEM(((_SLOTC + 3) * 16,), jnp.int32),
            pltpu.VMEM((16,), jnp.int32),
            pltpu.VMEM((_SLOTC * 16,), jnp.float32),
            pltpu.VMEM((_SLOTC * 16,), jnp.float32),
            pltpu.VMEM((_SLOTC * 16,), jnp.float32),
            pltpu.VMEM((_SLOTC * 16,), jnp.float32),
            pltpu.VMEM((_SLOTC * 16,), jnp.float32),
        ],
    )(_sc_body)
    sel_m, num_m = f(bx[:, 0], bx[:, 1], bx[:, 2], bx[:, 3], s, thr)

    sel = sel_m[:_MOUT]
    num = jnp.minimum(num_m[0], jnp.asarray(max_output_size, jnp.int32))
    return (sel, num)

# --- scband reference (transcript-rebuilt; emitter-appended) ---
"""Pipeline reference for scband-model-16569983828187 (READ-ONLY COPY).

The authoritative reference and input builder live on the scoring server;
editing this copy changes nothing except your own understanding.
"""

import jax, jax.numpy as jnp
import numpy as np

N = 20000
MAX_OUT = 200

def setup_inputs(seed: int = 0) -> dict:
    key = jax.random.key(seed)
    k1, k2, k3 = jax.random.split(key, 3)
    xy = jax.random.uniform(k1, (N, 2), minval=0.0, maxval=924.0)
    wh = jax.random.uniform(k2, (N, 2), minval=8.0, maxval=100.0)
    boxes = jnp.concatenate([xy, xy + wh], axis=1).astype(jnp.float32)
    scores = jax.random.uniform(k3, (N,), minval=0.0, maxval=1.0).astype(jnp.float32)
    return {"boxes": boxes, "scores": scores, "max_output_size": MAX_OUT, "iou_threshold": 0.5, "scores_threshold": 0.1}

def _nms(boxes, scores, max_output_size, iou_threshold, scores_threshold):
    boxes = boxes.astype(jnp.float32)
    scores = scores.astype(jnp.float32)
    active = scores > scores_threshold
    work = jnp.where(active, scores, -jnp.inf)
    areas = (boxes[:, 2] - boxes[:, 0]) * (boxes[:, 3] - boxes[:, 1])
    sel0 = jnp.zeros((MAX_OUT,), dtype=jnp.int32)

    def body(i, state):
        ws, sel, num = state
        idx = jnp.argmax(ws)  # first occurrence of max == stable descending sort order
        valid = ws[idx] > -jnp.inf
        b = boxes[idx]
        xx1 = jnp.maximum(b[0], boxes[:, 0])
        yy1 = jnp.maximum(b[1], boxes[:, 1])
        xx2 = jnp.minimum(b[2], boxes[:, 2])
        yy2 = jnp.minimum(b[3], boxes[:, 3])
        inter = jnp.clip(xx2 - xx1, 0.0, None) * jnp.clip(yy2 - yy1, 0.0, None)
        union = jnp.maximum(areas[idx] + areas - inter, 1e-6)
        iou = inter / union
        new_ws = jnp.where(iou >= iou_threshold, -jnp.inf, ws)
        new_ws = new_ws.at[idx].set(-jnp.inf)
        ws = jnp.where(valid, new_ws, ws)
        sel = jnp.where(valid, sel.at[num].set(idx.astype(jnp.int32)), sel)
        num = num + valid.astype(jnp.int32)
        return (ws, sel, num)

    ws, sel, num = jax.lax.fori_loop(0, MAX_OUT, body, (work, sel0, jnp.int32(0)))
    num = jnp.minimum(num, jnp.asarray(max_output_size, dtype=jnp.int32))
    return sel, num

def reference(boxes, scores, max_output_size, iou_threshold, scores_threshold):
    selected_indices, num_selected = _nms(boxes, scores, max_output_size, iou_threshold, scores_threshold)
    return (selected_indices, num_selected)

if __name__ == "__main__":
    import jax
    _d = setup_inputs()
    print(jax.jit(kernel)(*tuple(_d.values())))

</pallas_src>

<mosaic_0001>
#map = affine_map<(d0, d1) -> (0)>
module attributes {stable_mosaic.version = 14 : i64} {
  func.func @_sc_body(%arg0: i32, %arg1: i32, %arg2: memref<20480xf32, #tpu.memory_space<hbm>>, %arg3: memref<20480xf32, #tpu.memory_space<hbm>>, %arg4: memref<20480xf32, #tpu.memory_space<hbm>>, %arg5: memref<20480xf32, #tpu.memory_space<hbm>>, %arg6: memref<20480xf32, #tpu.memory_space<hbm>>, %arg7: memref<16xf32, #tpu.memory_space<hbm>>, %arg8: memref<256xi32, #tpu.memory_space<hbm>>, %arg9: memref<16xi32, #tpu.memory_space<hbm>>, %arg10: memref<20480xf32, #tpu.memory_space<vmem>>, %arg11: memref<20480xf32, #tpu.memory_space<vmem>>, %arg12: memref<20480xf32, #tpu.memory_space<vmem>>, %arg13: memref<20480xf32, #tpu.memory_space<vmem>>, %arg14: memref<20480xf32, #tpu.memory_space<vmem>>, %arg15: memref<1280xf32, #tpu.memory_space<vmem>>, %arg16: memref<80xf32, #tpu.memory_space<vmem>>, %arg17: memref<16xf32, #tpu.memory_space<vmem>>, %arg18: memref<256xi32, #tpu.memory_space<vmem>>, %arg19: memref<16xi32, #tpu.memory_space<vmem>>, %arg20: memref<208xf32, #tpu.memory_space<vmem>>, %arg21: memref<208xf32, #tpu.memory_space<vmem>>, %arg22: memref<208xf32, #tpu.memory_space<vmem>>, %arg23: memref<208xf32, #tpu.memory_space<vmem>>, %arg24: memref<208xf32, #tpu.memory_space<vmem>>) attributes {dimension_semantics = [#tpu.dimension_semantics<core_parallel>, #tpu.dimension_semantics<subcore_parallel>], iteration_bounds = array<i64: 2, 16>, scalar_prefetch = 0 : i64, scratch_operands = 15 : i64, tpu.core_type = #tpu.core_type<sc_vector_subcore>, window_params = [{transform_indices = #map}, {transform_indices = #map}, {transform_indices = #map}, {transform_indices = #map}, {transform_indices = #map}, {transform_indices = #map}, {transform_indices = #map}, {transform_indices = #map}]} {
    %mul3A = arith.constant 2 : i32
    %mul3A_0 = arith.muli %arg1, %mul3A : i32
    %add3A = arith.addi %mul3A_0, %arg0 : i32
    %eq3A = arith.constant 0 : i32
    %eq3A_1 = arith.cmpi eq, %add3A, %eq3A : i32
    %convert_element_type3A = arith.extui %eq3A_1 : i1 to i32
    %cond3A = arith.constant 0 : i32
    %cond3A_2 = arith.cmpi ne, %convert_element_type3A, %cond3A : i32
    scf.if %cond3A_2 {
      "tpu.region"() ({
        %run_scoped3A = tpu.sem_alloc : memref<!tpu.dma_semaphore, #tpu.memory_space<semaphore_mem>>
        tpu.enqueue_dma source(%arg2 : memref<20480xf32, #tpu.memory_space<hbm>>) target(%arg10 : memref<20480xf32, #tpu.memory_space<vmem>>) target_semaphore(%run_scoped3A : memref<!tpu.dma_semaphore, #tpu.memory_space<semaphore_mem>>)
        tpu.wait_dma2 semaphore(%run_scoped3A : memref<!tpu.dma_semaphore, #tpu.memory_space<semaphore_mem>>) src(%arg2 : memref<20480xf32, #tpu.memory_space<hbm>>) dst(%arg10 : memref<20480xf32, #tpu.memory_space<vmem>>)
        tpu.yield
      }) : () -> ()
      "tpu.region"() ({
        %run_scoped3A = tpu.sem_alloc : memref<!tpu.dma_semaphore, #tpu.memory_space<semaphore_mem>>
        tpu.enqueue_dma source(%arg3 : memref<20480xf32, #tpu.memory_space<hbm>>) target(%arg11 : memref<20480xf32, #tpu.memory_space<vmem>>) target_semaphore(%run_scoped3A : memref<!tpu.dma_semaphore, #tpu.memory_space<semaphore_mem>>)
        tpu.wait_dma2 semaphore(%run_scoped3A : memref<!tpu.dma_semaphore, #tpu.memory_space<semaphore_mem>>) src(%arg3 : memref<20480xf32, #tpu.memory_space<hbm>>) dst(%arg11 : memref<20480xf32, #tpu.memory_space<vmem>>)
        tpu.yield
      }) : () -> ()
      "tpu.region"() ({
        %run_scoped3A = tpu.sem_alloc : memref<!tpu.dma_semaphore, #tpu.memory_space<semaphore_mem>>
        tpu.enqueue_dma source(%arg4 : memref<20480xf32, #tpu.memory_space<hbm>>) target(%arg12 : memref<20480xf32, #tpu.memory_space<vmem>>) target_semaphore(%run_scoped3A : memref<!tpu.dma_semaphore, #tpu.memory_space<semaphore_mem>>)
        tpu.wait_dma2 semaphore(%run_scoped3A : memref<!tpu.dma_semaphore, #tpu.memory_space<semaphore_mem>>) src(%arg4 : memref<20480xf32, #tpu.memory_space<hbm>>) dst(%arg12 : memref<20480xf32, #tpu.memory_space<vmem>>)
        tpu.yield
      }) : () -> ()
      "tpu.region"() ({
        %run_scoped3A = tpu.sem_alloc : memref<!tpu.dma_semaphore, #tpu.memory_space<semaphore_mem>>
        tpu.enqueue_dma source(%arg5 : memref<20480xf32, #tpu.memory_space<hbm>>) target(%arg13 : memref<20480xf32, #tpu.memory_space<vmem>>) target_semaphore(%run_scoped3A : memref<!tpu.dma_semaphore, #tpu.memory_space<semaphore_mem>>)
        tpu.wait_dma2 semaphore(%run_scoped3A : memref<!tpu.dma_semaphore, #tpu.memory_space<semaphore_mem>>) src(%arg5 : memref<20480xf32, #tpu.memory_space<hbm>>) dst(%arg13 : memref<20480xf32, #tpu.memory_space<vmem>>)
        tpu.yield
      }) : () -> ()
      "tpu.region"() ({
        %run_scoped3A = tpu.sem_alloc : memref<!tpu.dma_semaphore, #tpu.memory_space<semaphore_mem>>
        tpu.enqueue_dma source(%arg6 : memref<20480xf32, #tpu.memory_space<hbm>>) target(%arg14 : memref<20480xf32, #tpu.memory_space<vmem>>) target_semaphore(%run_scoped3A : memref<!tpu.dma_semaphore, #tpu.memory_space<semaphore_mem>>)
        tpu.wait_dma2 semaphore(%run_scoped3A : memref<!tpu.dma_semaphore, #tpu.memory_space<semaphore_mem>>) src(%arg6 : memref<20480xf32, #tpu.memory_space<hbm>>) dst(%arg14 : memref<20480xf32, #tpu.memory_space<vmem>>)
        tpu.yield
      }) : () -> ()
      "tpu.region"() ({
        %run_scoped3A = tpu.sem_alloc : memref<!tpu.dma_semaphore, #tpu.memory_space<semaphore_mem>>
        tpu.enqueue_dma source(%arg7 : memref<16xf32, #tpu.memory_space<hbm>>) target(%arg17 : memref<16xf32, #tpu.memory_space<vmem>>) target_semaphore(%run_scoped3A : memref<!tpu.dma_semaphore, #tpu.memory_space<semaphore_mem>>)
        tpu.wait_dma2 semaphore(%run_scoped3A : memref<!tpu.dma_semaphore, #tpu.memory_space<semaphore_mem>>) src(%arg7 : memref<16xf32, #tpu.memory_space<hbm>>) dst(%arg17 : memref<16xf32, #tpu.memory_space<vmem>>)
        tpu.yield
      }) : () -> ()
      %iota3A = tpu.iota {dimensions = array<i32: 0>} : vector<16xi32>
      %get3A = arith.constant 0 : index
      %get3A_3 = tpu.vector_load %arg17[%get3A] {strides = array<i32>} : memref<16xf32, #tpu.memory_space<vmem>>, vector<16xf32>,
      %eq3A_4 = arith.constant 0 : i32
      %eq3A_5 = vector.broadcast %eq3A_4 : i32 to vector<16xi32>
      %eq3A_6 = arith.cmpi eq, %iota3A, %eq3A_5 : vector<16xi32>
      %convert_element_type3A_7 = arith.extui %eq3A_6 : vector<16xi1> to vector<16xi32>
      %convert_element_type3A_8 = arith.sitofp %convert_element_type3A_7 : vector<16xi32> to vector<16xf32>
      %mul3A_9 = arith.mulf %get3A_3, %convert_element_type3A_8 : vector<16xf32>
      %reduce_sum3A = arith.constant true
      %reduce_sum3A_10 = vector.broadcast %reduce_sum3A : i1 to vector<16xi1>
      %reduce_sum3A_11 = tpu.scan <sum>, %mul3A_9 masked %reduce_sum3A_10 : vector<16xf32>, vector<16xi1> -> vector<16xf32>
      %reduce_sum3A_12 = vector.extract %reduce_sum3A_11[15] : f32 from vector<16xf32>
      %eq3A_13 = arith.constant 1 : i32
      %eq3A_14 = vector.broadcast %eq3A_13 : i32 to vector<16xi32>
      %eq3A_15 = arith.cmpi eq, %iota3A, %eq3A_14 : vector<16xi32>
      %convert_element_type3A_16 = arith.extui %eq3A_15 : vector<16xi1> to vector<16xi32>
      %convert_element_type3A_17 = arith.sitofp %convert_element_type3A_16 : vector<16xi32> to vector<16xf32>
      %mul3A_18 = arith.mulf %get3A_3, %convert_element_type3A_17 : vector<16xf32>
      %reduce_sum3A_19 = arith.constant true
      %reduce_sum3A_20 = vector.broadcast %reduce_sum3A_19 : i1 to vector<16xi1>
      %reduce_sum3A_21 = tpu.scan <sum>, %mul3A_18 masked %reduce_sum3A_20 : vector<16xf32>, vector<16xi1> -> vector<16xf32>
      %reduce_sum3A_22 = vector.extract %reduce_sum3A_21[15] : f32 from vector<16xf32>
      %broadcast_in_dim3A = arith.constant 0 : i32
      %broadcast_in_dim3A_23 = vector.broadcast %broadcast_in_dim3A : i32 to vector<16xi32>
      %swap3A = arith.constant 0 : index
      %swap3A_24 = tpu.vector_load %arg18[%swap3A] {strides = array<i32>} : memref<256xi32, #tpu.memory_space<vmem>>, vector<16xi32>,
      tpu.vector_store %arg18[%swap3A], %broadcast_in_dim3A_23 {strides = array<i32>} : memref<256xi32, #tpu.memory_space<vmem>>, vector<16xi32>,
      %swap3A_25 = arith.constant 16 : index
      %swap3A_26 = tpu.vector_load %arg18[%swap3A_25] {strides = array<i32>} : memref<256xi32, #tpu.memory_space<vmem>>, vector<16xi32>,
      tpu.vector_store %arg18[%swap3A_25], %broadcast_in_dim3A_23 {strides = array<i32>} : memref<256xi32, #tpu.memory_space<vmem>>, vector<16xi32>,
      %swap3A_27 = arith.constant 32 : index
      %swap3A_28 = tpu.vector_load %arg18[%swap3A_27] {strides = array<i32>} : memref<256xi32, #tpu.memory_space<vmem>>, vector<16xi32>,
      tpu.vector_store %arg18[%swap3A_27], %broadcast_in_dim3A_23 {strides = array<i32>} : memref<256xi32, #tpu.memory_space<vmem>>, vector<16xi32>,
      %swap3A_29 = arith.constant 48 : index
      %swap3A_30 = tpu.vector_load %arg18[%swap3A_29] {strides = array<i32>} : memref<256xi32, #tpu.memory_space<vmem>>, vector<16xi32>,
      tpu.vector_store %arg18[%swap3A_29], %broadcast_in_dim3A_23 {strides = array<i32>} : memref<256xi32, #tpu.memory_space<vmem>>, vector<16xi32>,
      %swap3A_31 = arith.constant 64 : index
      %swap3A_32 = tpu.vector_load %arg18[%swap3A_31] {strides = array<i32>} : memref<256xi32, #tpu.memory_space<vmem>>, vector<16xi32>,
      tpu.vector_store %arg18[%swap3A_31], %broadcast_in_dim3A_23 {strides = array<i32>} : memref<256xi32, #tpu.memory_space<vmem>>, vector<16xi32>,
      %swap3A_33 = arith.constant 80 : index
      %swap3A_34 = tpu.vector_load %arg18[%swap3A_33] {strides = array<i32>} : memref<256xi32, #tpu.memory_space<vmem>>, vector<16xi32>,
      tpu.vector_store %arg18[%swap3A_33], %broadcast_in_dim3A_23 {strides = array<i32>} : memref<256xi32, #tpu.memory_space<vmem>>, vector<16xi32>,
      %swap3A_35 = arith.constant 96 : index
      %swap3A_36 = tpu.vector_load %arg18[%swap3A_35] {strides = array<i32>} : memref<256xi32, #tpu.memory_space<vmem>>, vector<16xi32>,
      tpu.vector_store %arg18[%swap3A_35], %broadcast_in_dim3A_23 {strides = array<i32>} : memref<256xi32, #tpu.memory_space<vmem>>, vector<16xi32>,
      %swap3A_37 = arith.constant 112 : index
      %swap3A_38 = tpu.vector_load %arg18[%swap3A_37] {strides = array<i32>} : memref<256xi32, #tpu.memory_space<vmem>>, vector<16xi32>,
      tpu.vector_store %arg18[%swap3A_37], %broadcast_in_dim3A_23 {strides = array<i32>} : memref<256xi32, #tpu.memory_space<vmem>>, vector<16xi32>,
      %swap3A_39 = arith.constant 128 : index
      %swap3A_40 = tpu.vector_load %arg18[%swap3A_39] {strides = array<i32>} : memref<256xi32, #tpu.memory_space<vmem>>, vector<16xi32>,
      tpu.vector_store %arg18[%swap3A_39], %broadcast_in_dim3A_23 {strides = array<i32>} : memref<256xi32, #tpu.memory_space<vmem>>, vector<16xi32>,
      %swap3A_41 = arith.constant 144 : index
      %swap3A_42 = tpu.vector_load %arg18[%swap3A_41] {strides = array<i32>} : memref<256xi32, #tpu.memory_space<vmem>>, vector<16xi32>,
      tpu.vector_store %arg18[%swap3A_41], %broadcast_in_dim3A_23 {strides = array<i32>} : memref<256xi32, #tpu.memory_space<vmem>>, vector<16xi32>,
      %swap3A_43 = arith.constant 160 : index
      %swap3A_44 = tpu.vector_load %arg18[%swap3A_43] {strides = array<i32>} : memref<256xi32, #tpu.memory_space<vmem>>, vector<16xi32>,
      tpu.vector_store %arg18[%swap3A_43], %broadcast_in_dim3A_23 {strides = array<i32>} : memref<256xi32, #tpu.memory_space<vmem>>, vector<16xi32>,
      %swap3A_45 = arith.constant 176 : index
      %swap3A_46 = tpu.vector_load %arg18[%swap3A_45] {strides = array<i32>} : memref<256xi32, #tpu.memory_space<vmem>>, vector<16xi32>,
      tpu.vector_store %arg18[%swap3A_45], %broadcast_in_dim3A_23 {strides = array<i32>} : memref<256xi32, #tpu.memory_space<vmem>>, vector<16xi32>,
      %swap3A_47 = arith.constant 192 : index
      %swap3A_48 = tpu.vector_load %arg18[%swap3A_47] {strides = array<i32>} : memref<256xi32, #tpu.memory_space<vmem>>, vector<16xi32>,
      tpu.vector_store %arg18[%swap3A_47], %broadcast_in_dim3A_23 {strides = array<i32>} : memref<256xi32, #tpu.memory_space<vmem>>, vector<16xi32>,
      %swap3A_49 = arith.constant 208 : index
      %swap3A_50 = tpu.vector_load %arg18[%swap3A_49] {strides = array<i32>} : memref<256xi32, #tpu.memory_space<vmem>>, vector<16xi32>,
      tpu.vector_store %arg18[%swap3A_49], %broadcast_in_dim3A_23 {strides = array<i32>} : memref<256xi32, #tpu.memory_space<vmem>>, vector<16xi32>,
      %swap3A_51 = arith.constant 224 : index
      %swap3A_52 = tpu.vector_load %arg18[%swap3A_51] {strides = array<i32>} : memref<256xi32, #tpu.memory_space<vmem>>, vector<16xi32>,
      tpu.vector_store %arg18[%swap3A_51], %broadcast_in_dim3A_23 {strides = array<i32>} : memref<256xi32, #tpu.memory_space<vmem>>, vector<16xi32>,
      %swap3A_53 = arith.constant 240 : index
      %swap3A_54 = tpu.vector_load %arg18[%swap3A_53] {strides = array<i32>} : memref<256xi32, #tpu.memory_space<vmem>>, vector<16xi32>,
      tpu.vector_store %arg18[%swap3A_53], %broadcast_in_dim3A_23 {strides = array<i32>} : memref<256xi32, #tpu.memory_space<vmem>>, vector<16xi32>,
      %scan3A = arith.constant 0 : i32
      %scan3A_55 = arith.constant 0 : i32
      %scan3A_56 = arith.constant 80 : i32
      %scan3A_57 = arith.addi %scan3A_55, %scan3A_56 : i32
      %scan3A_58 = arith.constant 1 : i32
      %scan3A_59 = scf.for %scan3A_77 = %scan3A_55 to %scan3A_57 step %scan3A_58 iter_args(%scan3A_78 = %scan3A) -> (i32)  : i32 {
        %broadcast_in_dim3A_79 = arith.constant 0xFF800000 : f32
        %broadcast_in_dim3A_80 = vector.broadcast %broadcast_in_dim3A_79 : f32 to vector<16xf32>
        %mul3A_81 = arith.constant 256 : i32
        %mul3A_82 = arith.muli %scan3A_77, %mul3A_81 : i32
        %add3A_83 = arith.constant 0 : i32
        %add3A_84 = arith.addi %mul3A_82, %add3A_83 : i32
        %get3A_85 = arith.index_cast %add3A_84 : i32 to index
        %get3A_86 = tpu.vector_load %arg14[%get3A_85] {strides = array<i32>} : memref<20480xf32, #tpu.memory_space<vmem>>, vector<16xf32>,
        %gt3A = vector.broadcast %reduce_sum3A_22 : f32 to vector<16xf32>
        %gt3A_87 = arith.cmpf ogt, %get3A_86, %gt3A : vector<16xf32>
        %jit3A_88 = arith.constant 0xFF800000 : f32
        %broadcast_in_dim3A_89 = vector.broadcast %jit3A_88 : f32 to vector<16xf32>
        %select_n3A_90 = arith.select %gt3A_87, %get3A_86, %broadcast_in_dim3A_89 : vector<16xi1>, vector<16xf32>
        %swap3A_91 = arith.index_cast %add3A_84 : i32 to index
        %swap3A_92 = tpu.vector_load %arg14[%swap3A_91] {strides = array<i32>} : memref<20480xf32, #tpu.memory_space<vmem>>, vector<16xf32>,
        tpu.vector_store %arg14[%swap3A_91], %select_n3A_90 {strides = array<i32>} : memref<20480xf32, #tpu.memory_space<vmem>>, vector<16xf32>,
        %reduce_max3A = arith.constant true
        %reduce_max3A_93 = vector.broadcast %reduce_max3A : i1 to vector<16xi1>
        %reduce_max3A_94 = tpu.scan <max>, %select_n3A_90 masked %reduce_max3A_93 : vector<16xf32>, vector<16xi1> -> vector<16xf32>
        %reduce_max3A_95 = vector.extract %reduce_max3A_94[15] : f32 from vector<16xf32>
        %eq3A_96 = arith.constant 0 : i32
        %eq3A_97 = vector.broadcast %eq3A_96 : i32 to vector<16xi32>
        %eq3A_98 = arith.cmpi eq, %iota3A, %eq3A_97 : vector<16xi32>
        %broadcast_in_dim3A_99 = vector.broadcast %reduce_max3A_95 : f32 to vector<16xf32>
        %select_n3A_100 = arith.select %eq3A_98, %broadcast_in_dim3A_99, %broadcast_in_dim3A_80 : vector<16xi1>, vector<16xf32>
        %mul3A_101 = arith.constant 256 : i32
        %mul3A_102 = arith.muli %scan3A_77, %mul3A_101 : i32
        %add3A_103 = arith.constant 16 : i32
        %add3A_104 = arith.addi %mul3A_102, %add3A_103 : i32
        %get3A_105 = arith.index_cast %add3A_104 : i32 to index
        %get3A_106 = tpu.vector_load %arg14[%get3A_105] {strides = array<i32>} : memref<20480xf32, #tpu.memory_space<vmem>>, vector<16xf32>,
        %gt3A_107 = vector.broadcast %reduce_sum3A_22 : f32 to vector<16xf32>
        %gt3A_108 = arith.cmpf ogt, %get3A_106, %gt3A_107 : vector<16xf32>
        %jit3A_109 = arith.constant 0xFF800000 : f32
        %broadcast_in_dim3A_110 = vector.broadcast %jit3A_109 : f32 to vector<16xf32>
        %select_n3A_111 = arith.select %gt3A_108, %get3A_106, %broadcast_in_dim3A_110 : vector<16xi1>, vector<16xf32>
        %swap3A_112 = arith.index_cast %add3A_104 : i32 to index
        %swap3A_113 = tpu.vector_load %arg14[%swap3A_112] {strides = array<i32>} : memref<20480xf32, #tpu.memory_space<vmem>>, vector<16xf32>,
        tpu.vector_store %arg14[%swap3A_112], %select_n3A_111 {strides = array<i32>} : memref<20480xf32, #tpu.memory_space<vmem>>, vector<16xf32>,
        %reduce_max3A_114 = arith.constant true
        %reduce_max3A_115 = vector.broadcast %reduce_max3A_114 : i1 to vector<16xi1>
        %reduce_max3A_116 = tpu.scan <max>, %select_n3A_111 masked %reduce_max3A_115 : vector<16xf32>, vector<16xi1> -> vector<16xf32>
        %reduce_max3A_117 = vector.extract %reduce_max3A_116[15] : f32 from vector<16xf32>
        %eq3A_118 = arith.constant 1 : i32
        %eq3A_119 = vector.broadcast %eq3A_118 : i32 to vector<16xi32>
        %eq3A_120 = arith.cmpi eq, %iota3A, %eq3A_119 : vector<16xi32>
        %broadcast_in_dim3A_121 = vector.broadcast %reduce_max3A_117 : f32 to vector<16xf32>
        %select_n3A_122 = arith.select %eq3A_120, %broadcast_in_dim3A_121, %select_n3A_100 : vector<16xi1>, vector<16xf32>
        %mul3A_123 = arith.constant 256 : i32
        %mul3A_124 = arith.muli %scan3A_77, %mul3A_123 : i32
        %add3A_125 = arith.constant 32 : i32
        %add3A_126 = arith.addi %mul3A_124, %add3A_125 : i32
        %get3A_127 = arith.index_cast %add3A_126 : i32 to index
        %get3A_128 = tpu.vector_load %arg14[%get3A_127] {strides = array<i32>} : memref<20480xf32, #tpu.memory_space<vmem>>, vector<16xf32>,
        %gt3A_129 = vector.broadcast %reduce_sum3A_22 : f32 to vector<16xf32>
        %gt3A_130 = arith.cmpf ogt, %get3A_128, %gt3A_129 : vector<16xf32>
        %jit3A_131 = arith.constant 0xFF800000 : f32
        %broadcast_in_dim3A_132 = vector.broadcast %jit3A_131 : f32 to vector<16xf32>
        %select_n3A_133 = arith.select %gt3A_130, %get3A_128, %broadcast_in_dim3A_132 : vector<16xi1>, vector<16xf32>
        %swap3A_134 = arith.index_cast %add3A_126 : i32 to index
        %swap3A_135 = tpu.vector_load %arg14[%swap3A_134] {strides = array<i32>} : memref<20480xf32, #tpu.memory_space<vmem>>, vector<16xf32>,
        tpu.vector_store %arg14[%swap3A_134], %select_n3A_133 {strides = array<i32>} : memref<20480xf32, #tpu.memory_space<vmem>>, vector<16xf32>,
        %reduce_max3A_136 = arith.constant true
        %reduce_max3A_137 = vector.broadcast %reduce_max3A_136 : i1 to vector<16xi1>
        %reduce_max3A_138 = tpu.scan <max>, %select_n3A_133 masked %reduce_max3A_137 : vector<16xf32>, vector<16xi1> -> vector<16xf32>
        %reduce_max3A_139 = vector.extract %reduce_max3A_138[15] : f32 from vector<16xf32>
        %eq3A_140 = arith.constant 2 : i32
        %eq3A_141 = vector.broadcast %eq3A_140 : i32 to vector<16xi32>
        %eq3A_142 = arith.cmpi eq, %iota3A, %eq3A_141 : vector<16xi32>
        %broadcast_in_dim3A_143 = vector.broadcast %reduce_max3A_139 : f32 to vector<16xf32>
        %select_n3A_144 = arith.select %eq3A_142, %broadcast_in_dim3A_143, %select_n3A_122 : vector<16xi1>, vector<16xf32>
        %mul3A_145 = arith.constant 256 : i32
        %mul3A_146 = arith.muli %scan3A_77, %mul3A_145 : i32
        %add3A_147 = arith.constant 48 : i32
        %add3A_148 = arith.addi %mul3A_146, %add3A_147 : i32
        %get3A_149 = arith.index_cast %add3A_148 : i32 to index
        %get3A_150 = tpu.vector_load %arg14[%get3A_149] {strides = array<i32>} : memref<20480xf32, #tpu.memory_space<vmem>>, vector<16xf32>,
        %gt3A_151 = vector.broadcast %reduce_sum3A_22 : f32 to vector<16xf32>
        %gt3A_152 = arith.cmpf ogt, %get3A_150, %gt3A_151 : vector<16xf32>
        %jit3A_153 = arith.constant 0xFF800000 : f32
        %broadcast_in_dim3A_154 = vector.broadcast %jit3A_153 : f32 to vector<16xf32>
        %select_n3A_155 = arith.select %gt3A_152, %get3A_150, %broadcast_in_dim3A_154 : vector<16xi1>, vector<16xf32>
        %swap3A_156 = arith.index_cast %add3A_148 : i32 to index
        %swap3A_157 = tpu.vector_load %arg14[%swap3A_156] {strides = array<i32>} : memref<20480xf32, #tpu.memory_space<vmem>>, vector<16xf32>,
        tpu.vector_store %arg14[%swap3A_156], %select_n3A_155 {strides = array<i32>} : memref<20480xf32, #tpu.memory_space<vmem>>, vector<16xf32>,
        %reduce_max3A_158 = arith.constant true
        %reduce_max3A_159 = vector.broadcast %reduce_max3A_158 : i1 to vector<16xi1>
        %reduce_max3A_160 = tpu.scan <max>, %select_n3A_155 masked %reduce_max3A_159 : vector<16xf32>, vector<16xi1> -> vector<16xf32>
        %reduce_max3A_161 = vector.extract %reduce_max3A_160[15] : f32 from vector<16xf32>
        %eq3A_162 = arith.constant 3 : i32
        %eq3A_163 = vector.broadcast %eq3A_162 : i32 to vector<16xi32>
        %eq3A_164 = arith.cmpi eq, %iota3A, %eq3A_163 : vector<16xi32>
        %broadcast_in_dim3A_165 = vector.broadcast %reduce_max3A_161 : f32 to vector<16xf32>
        %select_n3A_166 = arith.select %eq3A_164, %broadcast_in_dim3A_165, %select_n3A_144 : vector<16xi1>, vector<16xf32>
        %mul3A_167 = arith.constant 256 : i32
        %mul3A_168 = arith.muli %scan3A_77, %mul3A_167 : i32
        %add3A_169 = arith.constant 64 : i32
        %add3A_170 = arith.addi %mul3A_168, %add3A_169 : i32
        %get3A_171 = arith.index_cast %add3A_170 : i32 to index
        %get3A_172 = tpu.vector_load %arg14[%get3A_171] {strides = array<i32>} : memref<20480xf32, #tpu.memory_space<vmem>>, vector<16xf32>,
        %gt3A_173 = vector.broadcast %reduce_sum3A_22 : f32 to vector<16xf32>
        %gt3A_174 = arith.cmpf ogt, %get3A_172, %gt3A_173 : vector<16xf32>
        %jit3A_175 = arith.constant 0xFF800000 : f32
        %broadcast_in_dim3A_176 = vector.broadcast %jit3A_175 : f32 to vector<16xf32>
        %select_n3A_177 = arith.select %gt3A_174, %get3A_172, %broadcast_in_dim3A_176 : vector<16xi1>, vector<16xf32>
        %swap3A_178 = arith.index_cast %add3A_170 : i32 to index
        %swap3A_179 = tpu.vector_load %arg14[%swap3A_178] {strides = array<i32>} : memref<20480xf32, #tpu.memory_space<vmem>>, vector<16xf32>,
        tpu.vector_store %arg14[%swap3A_178], %select_n3A_177 {strides = array<i32>} : memref<20480xf32, #tpu.memory_space<vmem>>, vector<16xf32>,
        %reduce_max3A_180 = arith.constant true
        %reduce_max3A_181 = vector.broadcast %reduce_max3A_180 : i1 to vector<16xi1>
        %reduce_max3A_182 = tpu.scan <max>, %select_n3A_177 masked %reduce_max3A_181 : vector<16xf32>, vector<16xi1> -> vector<16xf32>
        %reduce_max3A_183 = vector.extract %reduce_max3A_182[15] : f32 from vector<16xf32>
        %eq3A_184 = arith.constant 4 : i32
        %eq3A_185 = vector.broadcast %eq3A_184 : i32 to vector<16xi32>
        %eq3A_186 = arith.cmpi eq, %iota3A, %eq3A_185 : vector<16xi32>
        %broadcast_in_dim3A_187 = vector.broadcast %reduce_max3A_183 : f32 to vector<16xf32>
        %select_n3A_188 = arith.select %eq3A_186, %broadcast_in_dim3A_187, %select_n3A_166 : vector<16xi1>, vector<16xf32>
        %mul3A_189 = arith.constant 256 : i32
        %mul3A_190 = arith.muli %scan3A_77, %mul3A_189 : i32
        %add3A_191 = arith.constant 80 : i32
        %add3A_192 = arith.addi %mul3A_190, %add3A_191 : i32
        %get3A_193 = arith.index_cast %add3A_192 : i32 to index
        %get3A_194 = tpu.vector_load %arg14[%get3A_193] {strides = array<i32>} : memref<20480xf32, #tpu.memory_space<vmem>>, vector<16xf32>,
        %gt3A_195 = vector.broadcast %reduce_sum3A_22 : f32 to vector<16xf32>
        %gt3A_196 = arith.cmpf ogt, %get3A_194, %gt3A_195 : vector<16xf32>
        %jit3A_197 = arith.constant 0xFF800000 : f32
        %broadcast_in_dim3A_198 = vector.broadcast %jit3A_197 : f32 to vector<16xf32>
        %select_n3A_199 = arith.select %gt3A_196, %get3A_194, %broadcast_in_dim3A_198 : vector<16xi1>, vector<16xf32>
        %swap3A_200 = arith.index_cast %add3A_192 : i32 to index
        %swap3A_201 = tpu.vector_load %arg14[%swap3A_200] {strides = array<i32>} : memref<20480xf32, #tpu.memory_space<vmem>>, vector<16xf32>,
        tpu.vector_store %arg14[%swap3A_200], %select_n3A_199 {strides = array<i32>} : memref<20480xf32, #tpu.memory_space<vmem>>, vector<16xf32>,
        %reduce_max3A_202 = arith.constant true
        %reduce_max3A_203 = vector.broadcast %reduce_max3A_202 : i1 to vector<16xi1>
        %reduce_max3A_204 = tpu.scan <max>, %select_n3A_199 masked %reduce_max3A_203 : vector<16xf32>, vector<16xi1> -> vector<16xf32>
        %reduce_max3A_205 = vector.extract %reduce_max3A_204[15] : f32 from vector<16xf32>
        %eq3A_206 = arith.constant 5 : i32
        %eq3A_207 = vector.broadcast %eq3A_206 : i32 to vector<16xi32>
        %eq3A_208 = arith.cmpi eq, %iota3A, %eq3A_207 : vector<16xi32>
        %broadcast_in_dim3A_209 = vector.broadcast %reduce_max3A_205 : f32 to vector<16xf32>
        %select_n3A_210 = arith.select %eq3A_208, %broadcast_in_dim3A_209, %select_n3A_188 : vector<16xi1>, vector<16xf32>
        %mul3A_211 = arith.constant 256 : i32
        %mul3A_212 = arith.muli %scan3A_77, %mul3A_211 : i32
        %add3A_213 = arith.constant 96 : i32
        %add3A_214 = arith.addi %mul3A_212, %add3A_213 : i32
        %get3A_215 = arith.index_cast %add3A_214 : i32 to index
        %get3A_216 = tpu.vector_load %arg14[%get3A_215] {strides = array<i32>} : memref<20480xf32, #tpu.memory_space<vmem>>, vector<16xf32>,
        %gt3A_217 = vector.broadcast %reduce_sum3A_22 : f32 to vector<16xf32>
        %gt3A_218 = arith.cmpf ogt, %get3A_216, %gt3A_217 : vector<16xf32>
        %jit3A_219 = arith.constant 0xFF800000 : f32
        %broadcast_in_dim3A_220 = vector.broadcast %jit3A_219 : f32 to vector<16xf32>
        %select_n3A_221 = arith.select %gt3A_218, %get3A_216, %broadcast_in_dim3A_220 : vector<16xi1>, vector<16xf32>
        %swap3A_222 = arith.index_cast %add3A_214 : i32 to index
        %swap3A_223 = tpu.vector_load %arg14[%swap3A_222] {strides = array<i32>} : memref<20480xf32, #tpu.memory_space<vmem>>, vector<16xf32>,
        tpu.vector_store %arg14[%swap3A_222], %select_n3A_221 {strides = array<i32>} : memref<20480xf32, #tpu.memory_space<vmem>>, vector<16xf32>,
        %reduce_max3A_224 = arith.constant true
        %reduce_max3A_225 = vector.broadcast %reduce_max3A_224 : i1 to vector<16xi1>
        %reduce_max3A_226 = tpu.scan <max>, %select_n3A_221 masked %reduce_max3A_225 : vector<16xf32>, vector<16xi1> -> vector<16xf32>
        %reduce_max3A_227 = vector.extract %reduce_max3A_226[15] : f32 from vector<16xf32>
        %eq3A_228 = arith.constant 6 : i32
        %eq3A_229 = vector.broadcast %eq3A_228 : i32 to vector<16xi32>
        %eq3A_230 = arith.cmpi eq, %iota3A, %eq3A_229 : vector<16xi32>
        %broadcast_in_dim3A_231 = vector.broadcast %reduce_max3A_227 : f32 to vector<16xf32>
        %select_n3A_232 = arith.select %eq3A_230, %broadcast_in_dim3A_231, %select_n3A_210 : vector<16xi1>, vector<16xf32>
        %mul3A_233 = arith.constant 256 : i32
        %mul3A_234 = arith.muli %scan3A_77, %mul3A_233 : i32
        %add3A_235 = arith.constant 112 : i32
        %add3A_236 = arith.addi %mul3A_234, %add3A_235 : i32
        %get3A_237 = arith.index_cast %add3A_236 : i32 to index
        %get3A_238 = tpu.vector_load %arg14[%get3A_237] {strides = array<i32>} : memref<20480xf32, #tpu.memory_space<vmem>>, vector<16xf32>,
        %gt3A_239 = vector.broadcast %reduce_sum3A_22 : f32 to vector<16xf32>
        %gt3A_240 = arith.cmpf ogt, %get3A_238, %gt3A_239 : vector<16xf32>
        %jit3A_241 = arith.constant 0xFF800000 : f32
        %broadcast_in_dim3A_242 = vector.broadcast %jit3A_241 : f32 to vector<16xf32>
        %select_n3A_243 = arith.select %gt3A_240, %get3A_238, %broadcast_in_dim3A_242 : vector<16xi1>, vector<16xf32>
        %swap3A_244 = arith.index_cast %add3A_236 : i32 to index
        %swap3A_245 = tpu.vector_load %arg14[%swap3A_244] {strides = array<i32>} : memref<20480xf32, #tpu.memory_space<vmem>>, vector<16xf32>,
        tpu.vector_store %arg14[%swap3A_244], %select_n3A_243 {strides = array<i32>} : memref<20480xf32, #tpu.memory_space<vmem>>, vector<16xf32>,
        %reduce_max3A_246 = arith.constant true
        %reduce_max3A_247 = vector.broadcast %reduce_max3A_246 : i1 to vector<16xi1>
        %reduce_max3A_248 = tpu.scan <max>, %select_n3A_243 masked %reduce_max3A_247 : vector<16xf32>, vector<16xi1> -> vector<16xf32>
        %reduce_max3A_249 = vector.extract %reduce_max3A_248[15] : f32 from vector<16xf32>
        %eq3A_250 = arith.constant 7 : i32
        %eq3A_251 = vector.broadcast %eq3A_250 : i32 to vector<16xi32>
        %eq3A_252 = arith.cmpi eq, %iota3A, %eq3A_251 : vector<16xi32>
        %broadcast_in_dim3A_253 = vector.broadcast %reduce_max3A_249 : f32 to vector<16xf32>
        %select_n3A_254 = arith.select %eq3A_252, %broadcast_in_dim3A_253, %select_n3A_232 : vector<16xi1>, vector<16xf32>
        %mul3A_255 = arith.constant 256 : i32
        %mul3A_256 = arith.muli %scan3A_77, %mul3A_255 : i32
        %add3A_257 = arith.constant 128 : i32
        %add3A_258 = arith.addi %mul3A_256, %add3A_257 : i32
        %get3A_259 = arith.index_cast %add3A_258 : i32 to index
        %get3A_260 = tpu.vector_load %arg14[%get3A_259] {strides = array<i32>} : memref<20480xf32, #tpu.memory_space<vmem>>, vector<16xf32>,
        %gt3A_261 = vector.broadcast %reduce_sum3A_22 : f32 to vector<16xf32>
        %gt3A_262 = arith.cmpf ogt, %get3A_260, %gt3A_261 : vector<16xf32>
        %jit3A_263 = arith.constant 0xFF800000 : f32
        %broadcast_in_dim3A_264 = vector.broadcast %jit3A_263 : f32 to vector<16xf32>
        %select_n3A_265 = arith.select %gt3A_262, %get3A_260, %broadcast_in_dim3A_264 : vector<16xi1>, vector<16xf32>
        %swap3A_266 = arith.index_cast %add3A_258 : i32 to index
        %swap3A_267 = tpu.vector_load %arg14[%swap3A_266] {strides = array<i32>} : memref<20480xf32, #tpu.memory_space<vmem>>, vector<16xf32>,
        tpu.vector_store %arg14[%swap3A_266], %select_n3A_265 {strides = array<i32>} : memref<20480xf32, #tpu.memory_space<vmem>>, vector<16xf32>,
        %reduce_max3A_268 = arith.constant true
        %reduce_max3A_269 = vector.broadcast %reduce_max3A_268 : i1 to vector<16xi1>
        %reduce_max3A_270 = tpu.scan <max>, %select_n3A_265 masked %reduce_max3A_269 : vector<16xf32>, vector<16xi1> -> vector<16xf32>
        %reduce_max3A_271 = vector.extract %reduce_max3A_270[15] : f32 from vector<16xf32>
        %eq3A_272 = arith.constant 8 : i32
        %eq3A_273 = vector.broadcast %eq3A_272 : i32 to vector<16xi32>
        %eq3A_274 = arith.cmpi eq, %iota3A, %eq3A_273 : vector<16xi32>
        %broadcast_in_dim3A_275 = vector.broadcast %reduce_max3A_271 : f32 to vector<16xf32>
        %select_n3A_276 = arith.select %eq3A_274, %broadcast_in_dim3A_275, %select_n3A_254 : vector<16xi1>, vector<16xf32>
        %mul3A_277 = arith.constant 256 : i32
        %mul3A_278 = arith.muli %scan3A_77, %mul3A_277 : i32
        %add3A_279 = arith.constant 144 : i32
        %add3A_280 = arith.addi %mul3A_278, %add3A_279 : i32
        %get3A_281 = arith.index_cast %add3A_280 : i32 to index
        %get3A_282 = tpu.vector_load %arg14[%get3A_281] {strides = array<i32>} : memref<20480xf32, #tpu.memory_space<vmem>>, vector<16xf32>,
        %gt3A_283 = vector.broadcast %reduce_sum3A_22 : f32 to vector<16xf32>
        %gt3A_284 = arith.cmpf ogt, %get3A_282, %gt3A_283 : vector<16xf32>
        %jit3A_285 = arith.constant 0xFF800000 : f32
        %broadcast_in_dim3A_286 = vector.broadcast %jit3A_285 : f32 to vector<16xf32>
        %select_n3A_287 = arith.select %gt3A_284, %get3A_282, %broadcast_in_dim3A_286 : vector<16xi1>, vector<16xf32>
        %swap3A_288 = arith.index_cast %add3A_280 : i32 to index
        %swap3A_289 = tpu.vector_load %arg14[%swap3A_288] {strides = array<i32>} : memref<20480xf32, #tpu.memory_space<vmem>>, vector<16xf32>,
        tpu.vector_store %arg14[%swap3A_288], %select_n3A_287 {strides = array<i32>} : memref<20480xf32, #tpu.memory_space<vmem>>, vector<16xf32>,
        %reduce_max3A_290 = arith.constant true
        %reduce_max3A_291 = vector.broadcast %reduce_max3A_290 : i1 to vector<16xi1>
        %reduce_max3A_292 = tpu.scan <max>, %select_n3A_287 masked %reduce_max3A_291 : vector<16xf32>, vector<16xi1> -> vector<16xf32>
        %reduce_max3A_293 = vector.extract %reduce_max3A_292[15] : f32 from vector<16xf32>
        %eq3A_294 = arith.constant 9 : i32
        %eq3A_295 = vector.broadcast %eq3A_294 : i32 to vector<16xi32>
        %eq3A_296 = arith.cmpi eq, %iota3A, %eq3A_295 : vector<16xi32>
        %broadcast_in_dim3A_297 = vector.broadcast %reduce_max3A_293 : f32 to vector<16xf32>
        %select_n3A_298 = arith.select %eq3A_296, %broadcast_in_dim3A_297, %select_n3A_276 : vector<16xi1>, vector<16xf32>
        %mul3A_299 = arith.constant 256 : i32
        %mul3A_300 = arith.muli %scan3A_77, %mul3A_299 : i32
        %add3A_301 = arith.constant 160 : i32
        %add3A_302 = arith.addi %mul3A_300, %add3A_301 : i32
        %get3A_303 = arith.index_cast %add3A_302 : i32 to index
        %get3A_304 = tpu.vector_load %arg14[%get3A_303] {strides = array<i32>} : memref<20480xf32, #tpu.memory_space<vmem>>, vector<16xf32>,
        %gt3A_305 = vector.broadcast %reduce_sum3A_22 : f32 to vector<16xf32>
        %gt3A_306 = arith.cmpf ogt, %get3A_304, %gt3A_305 : vector<16xf32>
        %jit3A_307 = arith.constant 0xFF800000 : f32
        %broadcast_in_dim3A_308 = vector.broadcast %jit3A_307 : f32 to vector<16xf32>
        %select_n3A_309 = arith.select %gt3A_306, %get3A_304, %broadcast_in_dim3A_308 : vector<16xi1>, vector<16xf32>
        %swap3A_310 = arith.index_cast %add3A_302 : i32 to index
        %swap3A_311 = tpu.vector_load %arg14[%swap3A_310] {strides = array<i32>} : memref<20480xf32, #tpu.memory_space<vmem>>, vector<16xf32>,
        tpu.vector_store %arg14[%swap3A_310], %select_n3A_309 {strides = array<i32>} : memref<20480xf32, #tpu.memory_space<vmem>>, vector<16xf32>,
        %reduce_max3A_312 = arith.constant true
        %reduce_max3A_313 = vector.broadcast %reduce_max3A_312 : i1 to vector<16xi1>
        %reduce_max3A_314 = tpu.scan <max>, %select_n3A_309 masked %reduce_max3A_313 : vector<16xf32>, vector<16xi1> -> vector<16xf32>
        %reduce_max3A_315 = vector.extract %reduce_max3A_314[15] : f32 from vector<16xf32>
        %eq3A_316 = arith.constant 10 : i32
        %eq3A_317 = vector.broadcast %eq3A_316 : i32 to vector<16xi32>
        %eq3A_318 = arith.cmpi eq, %iota3A, %eq3A_317 : vector<16xi32>
        %broadcast_in_dim3A_319 = vector.broadcast %reduce_max3A_315 : f32 to vector<16xf32>
        %select_n3A_320 = arith.select %eq3A_318, %broadcast_in_dim3A_319, %select_n3A_298 : vector<16xi1>, vector<16xf32>
        %mul3A_321 = arith.constant 256 : i32
        %mul3A_322 = arith.muli %scan3A_77, %mul3A_321 : i32
        %add3A_323 = arith.constant 176 : i32
        %add3A_324 = arith.addi %mul3A_322, %add3A_323 : i32
        %get3A_325 = arith.index_cast %add3A_324 : i32 to index
        %get3A_326 = tpu.vector_load %arg14[%get3A_325] {strides = array<i32>} : memref<20480xf32, #tpu.memory_space<vmem>>, vector<16xf32>,
        %gt3A_327 = vector.broadcast %reduce_sum3A_22 : f32 to vector<16xf32>
        %gt3A_328 = arith.cmpf ogt, %get3A_326, %gt3A_327 : vector<16xf32>
        %jit3A_329 = arith.constant 0xFF800000 : f32
        %broadcast_in_dim3A_330 = vector.broadcast %jit3A_329 : f32 to vector<16xf32>
        %select_n3A_331 = arith.select %gt3A_328, %get3A_326, %broadcast_in_dim3A_330 : vector<16xi1>, vector<16xf32>
        %swap3A_332 = arith.index_cast %add3A_324 : i32 to index
        %swap3A_333 = tpu.vector_load %arg14[%swap3A_332] {strides = array<i32>} : memref<20480xf32, #tpu.memory_space<vmem>>, vector<16xf32>,
        tpu.vector_store %arg14[%swap3A_332], %select_n3A_331 {strides = array<i32>} : memref<20480xf32, #tpu.memory_space<vmem>>, vector<16xf32>,
        %reduce_max3A_334 = arith.constant true
        %reduce_max3A_335 = vector.broadcast %reduce_max3A_334 : i1 to vector<16xi1>
        %reduce_max3A_336 = tpu.scan <max>, %select_n3A_331 masked %reduce_max3A_335 : vector<16xf32>, vector<16xi1> -> vector<16xf32>
        %reduce_max3A_337 = vector.extract %reduce_max3A_336[15] : f32 from vector<16xf32>
        %eq3A_338 = arith.constant 11 : i32
        %eq3A_339 = vector.broadcast %eq3A_338 : i32 to vector<16xi32>
        %eq3A_340 = arith.cmpi eq, %iota3A, %eq3A_339 : vector<16xi32>
        %broadcast_in_dim3A_341 = vector.broadcast %reduce_max3A_337 : f32 to vector<16xf32>
        %select_n3A_342 = arith.select %eq3A_340, %broadcast_in_dim3A_341, %select_n3A_320 : vector<16xi1>, vector<16xf32>
        %mul3A_343 = arith.constant 256 : i32
        %mul3A_344 = arith.muli %scan3A_77, %mul3A_343 : i32
        %add3A_345 = arith.constant 192 : i32
        %add3A_346 = arith.addi %mul3A_344, %add3A_345 : i32
        %get3A_347 = arith.index_cast %add3A_346 : i32 to index
        %get3A_348 = tpu.vector_load %arg14[%get3A_347] {strides = array<i32>} : memref<20480xf32, #tpu.memory_space<vmem>>, vector<16xf32>,
        %gt3A_349 = vector.broadcast %reduce_sum3A_22 : f32 to vector<16xf32>
        %gt3A_350 = arith.cmpf ogt, %get3A_348, %gt3A_349 : vector<16xf32>
        %jit3A_351 = arith.constant 0xFF800000 : f32
        %broadcast_in_dim3A_352 = vector.broadcast %jit3A_351 : f32 to vector<16xf32>
        %select_n3A_353 = arith.select %gt3A_350, %get3A_348, %broadcast_in_dim3A_352 : vector<16xi1>, vector<16xf32>
        %swap3A_354 = arith.index_cast %add3A_346 : i32 to index
        %swap3A_355 = tpu.vector_load %arg14[%swap3A_354] {strides = array<i32>} : memref<20480xf32, #tpu.memory_space<vmem>>, vector<16xf32>,
        tpu.vector_store %arg14[%swap3A_354], %select_n3A_353 {strides = array<i32>} : memref<20480xf32, #tpu.memory_space<vmem>>, vector<16xf32>,
        %reduce_max3A_356 = arith.constant true
        %reduce_max3A_357 = vector.broadcast %reduce_max3A_356 : i1 to vector<16xi1>
        %reduce_max3A_358 = tpu.scan <max>, %select_n3A_353 masked %reduce_max3A_357 : vector<16xf32>, vector<16xi1> -> vector<16xf32>
        %reduce_max3A_359 = vector.extract %reduce_max3A_358[15] : f32 from vector<16xf32>
        %eq3A_360 = arith.constant 12 : i32
        %eq3A_361 = vector.broadcast %eq3A_360 : i32 to vector<16xi32>
        %eq3A_362 = arith.cmpi eq, %iota3A, %eq3A_361 : vector<16xi32>
        %broadcast_in_dim3A_363 = vector.broadcast %reduce_max3A_359 : f32 to vector<16xf32>
        %select_n3A_364 = arith.select %eq3A_362, %broadcast_in_dim3A_363, %select_n3A_342 : vector<16xi1>, vector<16xf32>
        %mul3A_365 = arith.constant 256 : i32
        %mul3A_366 = arith.muli %scan3A_77, %mul3A_365 : i32
        %add3A_367 = arith.constant 208 : i32
        %add3A_368 = arith.addi %mul3A_366, %add3A_367 : i32
        %get3A_369 = arith.index_cast %add3A_368 : i32 to index
        %get3A_370 = tpu.vector_load %arg14[%get3A_369] {strides = array<i32>} : memref<20480xf32, #tpu.memory_space<vmem>>, vector<16xf32>,
        %gt3A_371 = vector.broadcast %reduce_sum3A_22 : f32 to vector<16xf32>
        %gt3A_372 = arith.cmpf ogt, %get3A_370, %gt3A_371 : vector<16xf32>
        %jit3A_373 = arith.constant 0xFF800000 : f32
        %broadcast_in_dim3A_374 = vector.broadcast %jit3A_373 : f32 to vector<16xf32>
        %select_n3A_375 = arith.select %gt3A_372, %get3A_370, %broadcast_in_dim3A_374 : vector<16xi1>, vector<16xf32>
        %swap3A_376 = arith.index_cast %add3A_368 : i32 to index
        %swap3A_377 = tpu.vector_load %arg14[%swap3A_376] {strides = array<i32>} : memref<20480xf32, #tpu.memory_space<vmem>>, vector<16xf32>,
        tpu.vector_store %arg14[%swap3A_376], %select_n3A_375 {strides = array<i32>} : memref<20480xf32, #tpu.memory_space<vmem>>, vector<16xf32>,
        %reduce_max3A_378 = arith.constant true
        %reduce_max3A_379 = vector.broadcast %reduce_max3A_378 : i1 to vector<16xi1>
        %reduce_max3A_380 = tpu.scan <max>, %select_n3A_375 masked %reduce_max3A_379 : vector<16xf32>, vector<16xi1> -> vector<16xf32>
        %reduce_max3A_381 = vector.extract %reduce_max3A_380[15] : f32 from vector<16xf32>
        %eq3A_382 = arith.constant 13 : i32
        %eq3A_383 = vector.broadcast %eq3A_382 : i32 to vector<16xi32>
        %eq3A_384 = arith.cmpi eq, %iota3A, %eq3A_383 : vector<16xi32>
        %broadcast_in_dim3A_385 = vector.broadcast %reduce_max3A_381 : f32 to vector<16xf32>
        %select_n3A_386 = arith.select %eq3A_384, %broadcast_in_dim3A_385, %select_n3A_364 : vector<16xi1>, vector<16xf32>
        %mul3A_387 = arith.constant 256 : i32
        %mul3A_388 = arith.muli %scan3A_77, %mul3A_387 : i32
        %add3A_389 = arith.constant 224 : i32
        %add3A_390 = arith.addi %mul3A_388, %add3A_389 : i32
        %get3A_391 = arith.index_cast %add3A_390 : i32 to index
        %get3A_392 = tpu.vector_load %arg14[%get3A_391] {strides = array<i32>} : memref<20480xf32, #tpu.memory_space<vmem>>, vector<16xf32>,
        %gt3A_393 = vector.broadcast %reduce_sum3A_22 : f32 to vector<16xf32>
        %gt3A_394 = arith.cmpf ogt, %get3A_392, %gt3A_393 : vector<16xf32>
        %jit3A_395 = arith.constant 0xFF800000 : f32
        %broadcast_in_dim3A_396 = vector.broadcast %jit3A_395 : f32 to vector<16xf32>
        %select_n3A_397 = arith.select %gt3A_394, %get3A_392, %broadcast_in_dim3A_396 : vector<16xi1>, vector<16xf32>
        %swap3A_398 = arith.index_cast %add3A_390 : i32 to index
        %swap3A_399 = tpu.vector_load %arg14[%swap3A_398] {strides = array<i32>} : memref<20480xf32, #tpu.memory_space<vmem>>, vector<16xf32>,
        tpu.vector_store %arg14[%swap3A_398], %select_n3A_397 {strides = array<i32>} : memref<20480xf32, #tpu.memory_space<vmem>>, vector<16xf32>,
        %reduce_max3A_400 = arith.constant true
        %reduce_max3A_401 = vector.broadcast %reduce_max3A_400 : i1 to vector<16xi1>
        %reduce_max3A_402 = tpu.scan <max>, %select_n3A_397 masked %reduce_max3A_401 : vector<16xf32>, vector<16xi1> -> vector<16xf32>
        %reduce_max3A_403 = vector.extract %reduce_max3A_402[15] : f32 from vector<16xf32>
        %eq3A_404 = arith.constant 14 : i32
        %eq3A_405 = vector.broadcast %eq3A_404 : i32 to vector<16xi32>
        %eq3A_406 = arith.cmpi eq, %iota3A, %eq3A_405 : vector<16xi32>
        %broadcast_in_dim3A_407 = vector.broadcast %reduce_max3A_403 : f32 to vector<16xf32>
        %select_n3A_408 = arith.select %eq3A_406, %broadcast_in_dim3A_407, %select_n3A_386 : vector<16xi1>, vector<16xf32>
        %mul3A_409 = arith.constant 256 : i32
        %mul3A_410 = arith.muli %scan3A_77, %mul3A_409 : i32
        %add3A_411 = arith.constant 240 : i32
        %add3A_412 = arith.addi %mul3A_410, %add3A_411 : i32
        %get3A_413 = arith.index_cast %add3A_412 : i32 to index
        %get3A_414 = tpu.vector_load %arg14[%get3A_413] {strides = array<i32>} : memref<20480xf32, #tpu.memory_space<vmem>>, vector<16xf32>,
        %gt3A_415 = vector.broadcast %reduce_sum3A_22 : f32 to vector<16xf32>
        %gt3A_416 = arith.cmpf ogt, %get3A_414, %gt3A_415 : vector<16xf32>
        %jit3A_417 = arith.constant 0xFF800000 : f32
        %broadcast_in_dim3A_418 = vector.broadcast %jit3A_417 : f32 to vector<16xf32>
        %select_n3A_419 = arith.select %gt3A_416, %get3A_414, %broadcast_in_dim3A_418 : vector<16xi1>, vector<16xf32>
        %swap3A_420 = arith.index_cast %add3A_412 : i32 to index
        %swap3A_421 = tpu.vector_load %arg14[%swap3A_420] {strides = array<i32>} : memref<20480xf32, #tpu.memory_space<vmem>>, vector<16xf32>,
        tpu.vector_store %arg14[%swap3A_420], %select_n3A_419 {strides = array<i32>} : memref<20480xf32, #tpu.memory_space<vmem>>, vector<16xf32>,
        %reduce_max3A_422 = arith.constant true
        %reduce_max3A_423 = vector.broadcast %reduce_max3A_422 : i1 to vector<16xi1>
        %reduce_max3A_424 = tpu.scan <max>, %select_n3A_419 masked %reduce_max3A_423 : vector<16xf32>, vector<16xi1> -> vector<16xf32>
        %reduce_max3A_425 = vector.extract %reduce_max3A_424[15] : f32 from vector<16xf32>
        %eq3A_426 = arith.constant 15 : i32
        %eq3A_427 = vector.broadcast %eq3A_426 : i32 to vector<16xi32>
        %eq3A_428 = arith.cmpi eq, %iota3A, %eq3A_427 : vector<16xi32>
        %broadcast_in_dim3A_429 = vector.broadcast %reduce_max3A_425 : f32 to vector<16xf32>
        %select_n3A_430 = arith.select %eq3A_428, %broadcast_in_dim3A_429, %select_n3A_408 : vector<16xi1>, vector<16xf32>
        %mul3A_431 = arith.constant 16 : i32
        %mul3A_432 = arith.muli %scan3A_77, %mul3A_431 : i32
        %swap3A_433 = arith.index_cast %mul3A_432 : i32 to index
        %swap3A_434 = tpu.vector_load %arg15[%swap3A_433] {strides = array<i32>} : memref<1280xf32, #tpu.memory_space<vmem>>, vector<16xf32>,
        tpu.vector_store %arg15[%swap3A_433], %select_n3A_430 {strides = array<i32>} : memref<1280xf32, #tpu.memory_space<vmem>>, vector<16xf32>,
        %scan3A_435 = arith.constant 0 : i32
        scf.yield %scan3A_435 : i32
      }
      %scan3A_60 = arith.constant 80 : i32
      %scan3A_61 = arith.constant 0 : i32
      %scan3A_62 = arith.constant 0 : i32
      %scan3A_63 = arith.constant 5 : i32
      %scan3A_64 = arith.addi %scan3A_62, %scan3A_63 : i32
      %scan3A_65 = arith.constant 1 : i32
      %scan3A_66 = scf.for %scan3A_77 = %scan3A_62 to %scan3A_64 step %scan3A_65 iter_args(%scan3A_78 = %scan3A_61) -> (i32)  : i32 {
        %broadcast_in_dim3A_79 = arith.constant 0xFF800000 : f32
        %broadcast_in_dim3A_80 = vector.broadcast %broadcast_in_dim3A_79 : f32 to vector<16xf32>
        %mul3A_81 = arith.constant 256 : i32
        %mul3A_82 = arith.muli %scan3A_77, %mul3A_81 : i32
        %add3A_83 = arith.constant 0 : i32
        %add3A_84 = arith.addi %mul3A_82, %add3A_83 : i32
        %get3A_85 = arith.index_cast %add3A_84 : i32 to index
        %get3A_86 = tpu.vector_load %arg15[%get3A_85] {strides = array<i32>} : memref<1280xf32, #tpu.memory_space<vmem>>, vector<16xf32>,
        %reduce_max3A = arith.constant true
        %reduce_max3A_87 = vector.broadcast %reduce_max3A : i1 to vector<16xi1>
        %reduce_max3A_88 = tpu.scan <max>, %get3A_86 masked %reduce_max3A_87 : vector<16xf32>, vector<16xi1> -> vector<16xf32>
        %reduce_max3A_89 = vector.extract %reduce_max3A_88[15] : f32 from vector<16xf32>
        %eq3A_90 = arith.constant 0 : i32
        %eq3A_91 = vector.broadcast %eq3A_90 : i32 to vector<16xi32>
        %eq3A_92 = arith.cmpi eq, %iota3A, %eq3A_91 : vector<16xi32>
        %broadcast_in_dim3A_93 = vector.broadcast %reduce_max3A_89 : f32 to vector<16xf32>
        %select_n3A_94 = arith.select %eq3A_92, %broadcast_in_dim3A_93, %broadcast_in_dim3A_80 : vector<16xi1>, vector<16xf32>
        %mul3A_95 = arith.constant 256 : i32
        %mul3A_96 = arith.muli %scan3A_77, %mul3A_95 : i32
        %add3A_97 = arith.constant 16 : i32
        %add3A_98 = arith.addi %mul3A_96, %add3A_97 : i32
        %get3A_99 = arith.index_cast %add3A_98 : i32 to index
        %get3A_100 = tpu.vector_load %arg15[%get3A_99] {strides = array<i32>} : memref<1280xf32, #tpu.memory_space<vmem>>, vector<16xf32>,
        %reduce_max3A_101 = arith.constant true
        %reduce_max3A_102 = vector.broadcast %reduce_max3A_101 : i1 to vector<16xi1>
        %reduce_max3A_103 = tpu.scan <max>, %get3A_100 masked %reduce_max3A_102 : vector<16xf32>, vector<16xi1> -> vector<16xf32>
        %reduce_max3A_104 = vector.extract %reduce_max3A_103[15] : f32 from vector<16xf32>
        %eq3A_105 = arith.constant 1 : i32
        %eq3A_106 = vector.broadcast %eq3A_105 : i32 to vector<16xi32>
        %eq3A_107 = arith.cmpi eq, %iota3A, %eq3A_106 : vector<16xi32>
        %broadcast_in_dim3A_108 = vector.broadcast %reduce_max3A_104 : f32 to vector<16xf32>
        %select_n3A_109 = arith.select %eq3A_107, %broadcast_in_dim3A_108, %select_n3A_94 : vector<16xi1>, vector<16xf32>
        %mul3A_110 = arith.constant 256 : i32
        %mul3A_111 = arith.muli %scan3A_77, %mul3A_110 : i32
        %add3A_112 = arith.constant 32 : i32
        %add3A_113 = arith.addi %mul3A_111, %add3A_112 : i32
        %get3A_114 = arith.index_cast %add3A_113 : i32 to index
        %get3A_115 = tpu.vector_load %arg15[%get3A_114] {strides = array<i32>} : memref<1280xf32, #tpu.memory_space<vmem>>, vector<16xf32>,
        %reduce_max3A_116 = arith.constant true
        %reduce_max3A_117 = vector.broadcast %reduce_max3A_116 : i1 to vector<16xi1>
        %reduce_max3A_118 = tpu.scan <max>, %get3A_115 masked %reduce_max3A_117 : vector<16xf32>, vector<16xi1> -> vector<16xf32>
        %reduce_max3A_119 = vector.extract %reduce_max3A_118[15] : f32 from vector<16xf32>
        %eq3A_120 = arith.constant 2 : i32
        %eq3A_121 = vector.broadcast %eq3A_120 : i32 to vector<16xi32>
        %eq3A_122 = arith.cmpi eq, %iota3A, %eq3A_121 : vector<16xi32>
        %broadcast_in_dim3A_123 = vector.broadcast %reduce_max3A_119 : f32 to vector<16xf32>
        %select_n3A_124 = arith.select %eq3A_122, %broadcast_in_dim3A_123, %select_n3A_109 : vector<16xi1>, vector<16xf32>
        %mul3A_125 = arith.constant 256 : i32
        %mul3A_126 = arith.muli %scan3A_77, %mul3A_125 : i32
        %add3A_127 = arith.constant 48 : i32
        %add3A_128 = arith.addi %mul3A_126, %add3A_127 : i32
        %get3A_129 = arith.index_cast %add3A_128 : i32 to index
        %get3A_130 = tpu.vector_load %arg15[%get3A_129] {strides = array<i32>} : memref<1280xf32, #tpu.memory_space<vmem>>, vector<16xf32>,
        %reduce_max3A_131 = arith.constant true
        %reduce_max3A_132 = vector.broadcast %reduce_max3A_131 : i1 to vector<16xi1>
        %reduce_max3A_133 = tpu.scan <max>, %get3A_130 masked %reduce_max3A_132 : vector<16xf32>, vector<16xi1> -> vector<16xf32>
        %reduce_max3A_134 = vector.extract %reduce_max3A_133[15] : f32 from vector<16xf32>
        %eq3A_135 = arith.constant 3 : i32
        %eq3A_136 = vector.broadcast %eq3A_135 : i32 to vector<16xi32>
        %eq3A_137 = arith.cmpi eq, %iota3A, %eq3A_136 : vector<16xi32>
        %broadcast_in_dim3A_138 = vector.broadcast %reduce_max3A_134 : f32 to vector<16xf32>
        %select_n3A_139 = arith.select %eq3A_137, %broadcast_in_dim3A_138, %select_n3A_124 : vector<16xi1>, vector<16xf32>
        %mul3A_140 = arith.constant 256 : i32
        %mul3A_141 = arith.muli %scan3A_77, %mul3A_140 : i32
        %add3A_142 = arith.constant 64 : i32
        %add3A_143 = arith.addi %mul3A_141, %add3A_142 : i32
        %get3A_144 = arith.index_cast %add3A_143 : i32 to index
        %get3A_145 = tpu.vector_load %arg15[%get3A_144] {strides = array<i32>} : memref<1280xf32, #tpu.memory_space<vmem>>, vector<16xf32>,
        %reduce_max3A_146 = arith.constant true
        %reduce_max3A_147 = vector.broadcast %reduce_max3A_146 : i1 to vector<16xi1>
        %reduce_max3A_148 = tpu.scan <max>, %get3A_145 masked %reduce_max3A_147 : vector<16xf32>, vector<16xi1> -> vector<16xf32>
        %reduce_max3A_149 = vector.extract %reduce_max3A_148[15] : f32 from vector<16xf32>
        %eq3A_150 = arith.constant 4 : i32
        %eq3A_151 = vector.broadcast %eq3A_150 : i32 to vector<16xi32>
        %eq3A_152 = arith.cmpi eq, %iota3A, %eq3A_151 : vector<16xi32>
        %broadcast_in_dim3A_153 = vector.broadcast %reduce_max3A_149 : f32 to vector<16xf32>
        %select_n3A_154 = arith.select %eq3A_152, %broadcast_in_dim3A_153, %select_n3A_139 : vector<16xi1>, vector<16xf32>
        %mul3A_155 = arith.constant 256 : i32
        %mul3A_156 = arith.muli %scan3A_77, %mul3A_155 : i32
        %add3A_157 = arith.constant 80 : i32
        %add3A_158 = arith.addi %mul3A_156, %add3A_157 : i32
        %get3A_159 = arith.index_cast %add3A_158 : i32 to index
        %get3A_160 = tpu.vector_load %arg15[%get3A_159] {strides = array<i32>} : memref<1280xf32, #tpu.memory_space<vmem>>, vector<16xf32>,
        %reduce_max3A_161 = arith.constant true
        %reduce_max3A_162 = vector.broadcast %reduce_max3A_161 : i1 to vector<16xi1>
        %reduce_max3A_163 = tpu.scan <max>, %get3A_160 masked %reduce_max3A_162 : vector<16xf32>, vector<16xi1> -> vector<16xf32>
        %reduce_max3A_164 = vector.extract %reduce_max3A_163[15] : f32 from vector<16xf32>
        %eq3A_165 = arith.constant 5 : i32
        %eq3A_166 = vector.broadcast %eq3A_165 : i32 to vector<16xi32>
        %eq3A_167 = arith.cmpi eq, %iota3A, %eq3A_166 : vector<16xi32>
        %broadcast_in_dim3A_168 = vector.broadcast %reduce_max3A_164 : f32 to vector<16xf32>
        %select_n3A_169 = arith.select %eq3A_167, %broadcast_in_dim3A_168, %select_n3A_154 : vector<16xi1>, vector<16xf32>
        %mul3A_170 = arith.constant 256 : i32
        %mul3A_171 = arith.muli %scan3A_77, %mul3A_170 : i32
        %add3A_172 = arith.constant 96 : i32
        %add3A_173 = arith.addi %mul3A_171, %add3A_172 : i32
        %get3A_174 = arith.index_cast %add3A_173 : i32 to index
        %get3A_175 = tpu.vector_load %arg15[%get3A_174] {strides = array<i32>} : memref<1280xf32, #tpu.memory_space<vmem>>, vector<16xf32>,
        %reduce_max3A_176 = arith.constant true
        %reduce_max3A_177 = vector.broadcast %reduce_max3A_176 : i1 to vector<16xi1>
        %reduce_max3A_178 = tpu.scan <max>, %get3A_175 masked %reduce_max3A_177 : vector<16xf32>, vector<16xi1> -> vector<16xf32>
        %reduce_max3A_179 = vector.extract %reduce_max3A_178[15] : f32 from vector<16xf32>
        %eq3A_180 = arith.constant 6 : i32
        %eq3A_181 = vector.broadcast %eq3A_180 : i32 to vector<16xi32>
        %eq3A_182 = arith.cmpi eq, %iota3A, %eq3A_181 : vector<16xi32>
        %broadcast_in_dim3A_183 = vector.broadcast %reduce_max3A_179 : f32 to vector<16xf32>
        %select_n3A_184 = arith.select %eq3A_182, %broadcast_in_dim3A_183, %select_n3A_169 : vector<16xi1>, vector<16xf32>
        %mul3A_185 = arith.constant 256 : i32
        %mul3A_186 = arith.muli %scan3A_77, %mul3A_185 : i32
        %add3A_187 = arith.constant 112 : i32
        %add3A_188 = arith.addi %mul3A_186, %add3A_187 : i32
        %get3A_189 = arith.index_cast %add3A_188 : i32 to index
        %get3A_190 = tpu.vector_load %arg15[%get3A_189] {strides = array<i32>} : memref<1280xf32, #tpu.memory_space<vmem>>, vector<16xf32>,
        %reduce_max3A_191 = arith.constant true
        %reduce_max3A_192 = vector.broadcast %reduce_max3A_191 : i1 to vector<16xi1>
        %reduce_max3A_193 = tpu.scan <max>, %get3A_190 masked %reduce_max3A_192 : vector<16xf32>, vector<16xi1> -> vector<16xf32>
        %reduce_max3A_194 = vector.extract %reduce_max3A_193[15] : f32 from vector<16xf32>
        %eq3A_195 = arith.constant 7 : i32
        %eq3A_196 = vector.broadcast %eq3A_195 : i32 to vector<16xi32>
        %eq3A_197 = arith.cmpi eq, %iota3A, %eq3A_196 : vector<16xi32>
        %broadcast_in_dim3A_198 = vector.broadcast %reduce_max3A_194 : f32 to vector<16xf32>
        %select_n3A_199 = arith.select %eq3A_197, %broadcast_in_dim3A_198, %select_n3A_184 : vector<16xi1>, vector<16xf32>
        %mul3A_200 = arith.constant 256 : i32
        %mul3A_201 = arith.muli %scan3A_77, %mul3A_200 : i32
        %add3A_202 = arith.constant 128 : i32
        %add3A_203 = arith.addi %mul3A_201, %add3A_202 : i32
        %get3A_204 = arith.index_cast %add3A_203 : i32 to index
        %get3A_205 = tpu.vector_load %arg15[%get3A_204] {strides = array<i32>} : memref<1280xf32, #tpu.memory_space<vmem>>, vector<16xf32>,
        %reduce_max3A_206 = arith.constant true
        %reduce_max3A_207 = vector.broadcast %reduce_max3A_206 : i1 to vector<16xi1>
        %reduce_max3A_208 = tpu.scan <max>, %get3A_205 masked %reduce_max3A_207 : vector<16xf32>, vector<16xi1> -> vector<16xf32>
        %reduce_max3A_209 = vector.extract %reduce_max3A_208[15] : f32 from vector<16xf32>
        %eq3A_210 = arith.constant 8 : i32
        %eq3A_211 = vector.broadcast %eq3A_210 : i32 to vector<16xi32>
        %eq3A_212 = arith.cmpi eq, %iota3A, %eq3A_211 : vector<16xi32>
        %broadcast_in_dim3A_213 = vector.broadcast %reduce_max3A_209 : f32 to vector<16xf32>
        %select_n3A_214 = arith.select %eq3A_212, %broadcast_in_dim3A_213, %select_n3A_199 : vector<16xi1>, vector<16xf32>
        %mul3A_215 = arith.constant 256 : i32
        %mul3A_216 = arith.muli %scan3A_77, %mul3A_215 : i32
        %add3A_217 = arith.constant 144 : i32
        %add3A_218 = arith.addi %mul3A_216, %add3A_217 : i32
        %get3A_219 = arith.index_cast %add3A_218 : i32 to index
        %get3A_220 = tpu.vector_load %arg15[%get3A_219] {strides = array<i32>} : memref<1280xf32, #tpu.memory_space<vmem>>, vector<16xf32>,
        %reduce_max3A_221 = arith.constant true
        %reduce_max3A_222 = vector.broadcast %reduce_max3A_221 : i1 to vector<16xi1>
        %reduce_max3A_223 = tpu.scan <max>, %get3A_220 masked %reduce_max3A_222 : vector<16xf32>, vector<16xi1> -> vector<16xf32>
        %reduce_max3A_224 = vector.extract %reduce_max3A_223[15] : f32 from vector<16xf32>
        %eq3A_225 = arith.constant 9 : i32
        %eq3A_226 = vector.broadcast %eq3A_225 : i32 to vector<16xi32>
        %eq3A_227 = arith.cmpi eq, %iota3A, %eq3A_226 : vector<16xi32>
        %broadcast_in_dim3A_228 = vector.broadcast %reduce_max3A_224 : f32 to vector<16xf32>
        %select_n3A_229 = arith.select %eq3A_227, %broadcast_in_dim3A_228, %select_n3A_214 : vector<16xi1>, vector<16xf32>
        %mul3A_230 = arith.constant 256 : i32
        %mul3A_231 = arith.muli %scan3A_77, %mul3A_230 : i32
        %add3A_232 = arith.constant 160 : i32
        %add3A_233 = arith.addi %mul3A_231, %add3A_232 : i32
        %get3A_234 = arith.index_cast %add3A_233 : i32 to index
        %get3A_235 = tpu.vector_load %arg15[%get3A_234] {strides = array<i32>} : memref<1280xf32, #tpu.memory_space<vmem>>, vector<16xf32>,
        %reduce_max3A_236 = arith.constant true
        %reduce_max3A_237 = vector.broadcast %reduce_max3A_236 : i1 to vector<16xi1>
        %reduce_max3A_238 = tpu.scan <max>, %get3A_235 masked %reduce_max3A_237 : vector<16xf32>, vector<16xi1> -> vector<16xf32>
        %reduce_max3A_239 = vector.extract %reduce_max3A_238[15] : f32 from vector<16xf32>
        %eq3A_240 = arith.constant 10 : i32
        %eq3A_241 = vector.broadcast %eq3A_240 : i32 to vector<16xi32>
        %eq3A_242 = arith.cmpi eq, %iota3A, %eq3A_241 : vector<16xi32>
        %broadcast_in_dim3A_243 = vector.broadcast %reduce_max3A_239 : f32 to vector<16xf32>
        %select_n3A_244 = arith.select %eq3A_242, %broadcast_in_dim3A_243, %select_n3A_229 : vector<16xi1>, vector<16xf32>
        %mul3A_245 = arith.constant 256 : i32
        %mul3A_246 = arith.muli %scan3A_77, %mul3A_245 : i32
        %add3A_247 = arith.constant 176 : i32
        %add3A_248 = arith.addi %mul3A_246, %add3A_247 : i32
        %get3A_249 = arith.index_cast %add3A_248 : i32 to index
        %get3A_250 = tpu.vector_load %arg15[%get3A_249] {strides = array<i32>} : memref<1280xf32, #tpu.memory_space<vmem>>, vector<16xf32>,
        %reduce_max3A_251 = arith.constant true
        %reduce_max3A_252 = vector.broadcast %reduce_max3A_251 : i1 to vector<16xi1>
        %reduce_max3A_253 = tpu.scan <max>, %get3A_250 masked %reduce_max3A_252 : vector<16xf32>, vector<16xi1> -> vector<16xf32>
        %reduce_max3A_254 = vector.extract %reduce_max3A_253[15] : f32 from vector<16xf32>
        %eq3A_255 = arith.constant 11 : i32
        %eq3A_256 = vector.broadcast %eq3A_255 : i32 to vector<16xi32>
        %eq3A_257 = arith.cmpi eq, %iota3A, %eq3A_256 : vector<16xi32>
        %broadcast_in_dim3A_258 = vector.broadcast %reduce_max3A_254 : f32 to vector<16xf32>
        %select_n3A_259 = arith.select %eq3A_257, %broadcast_in_dim3A_258, %select_n3A_244 : vector<16xi1>, vector<16xf32>
        %mul3A_260 = arith.constant 256 : i32
        %mul3A_261 = arith.muli %scan3A_77, %mul3A_260 : i32
        %add3A_262 = arith.constant 192 : i32
        %add3A_263 = arith.addi %mul3A_261, %add3A_262 : i32
        %get3A_264 = arith.index_cast %add3A_263 : i32 to index
        %get3A_265 = tpu.vector_load %arg15[%get3A_264] {strides = array<i32>} : memref<1280xf32, #tpu.memory_space<vmem>>, vector<16xf32>,
        %reduce_max3A_266 = arith.constant true
        %reduce_max3A_267 = vector.broadcast %reduce_max3A_266 : i1 to vector<16xi1>
        %reduce_max3A_268 = tpu.scan <max>, %get3A_265 masked %reduce_max3A_267 : vector<16xf32>, vector<16xi1> -> vector<16xf32>
        %reduce_max3A_269 = vector.extract %reduce_max3A_268[15] : f32 from vector<16xf32>
        %eq3A_270 = arith.constant 12 : i32
        %eq3A_271 = vector.broadcast %eq3A_270 : i32 to vector<16xi32>
        %eq3A_272 = arith.cmpi eq, %iota3A, %eq3A_271 : vector<16xi32>
        %broadcast_in_dim3A_273 = vector.broadcast %reduce_max3A_269 : f32 to vector<16xf32>
        %select_n3A_274 = arith.select %eq3A_272, %broadcast_in_dim3A_273, %select_n3A_259 : vector<16xi1>, vector<16xf32>
        %mul3A_275 = arith.constant 256 : i32
        %mul3A_276 = arith.muli %scan3A_77, %mul3A_275 : i32
        %add3A_277 = arith.constant 208 : i32
        %add3A_278 = arith.addi %mul3A_276, %add3A_277 : i32
        %get3A_279 = arith.index_cast %add3A_278 : i32 to index
        %get3A_280 = tpu.vector_load %arg15[%get3A_279] {strides = array<i32>} : memref<1280xf32, #tpu.memory_space<vmem>>, vector<16xf32>,
        %reduce_max3A_281 = arith.constant true
        %reduce_max3A_282 = vector.broadcast %reduce_max3A_281 : i1 to vector<16xi1>
        %reduce_max3A_283 = tpu.scan <max>, %get3A_280 masked %reduce_max3A_282 : vector<16xf32>, vector<16xi1> -> vector<16xf32>
        %reduce_max3A_284 = vector.extract %reduce_max3A_283[15] : f32 from vector<16xf32>
        %eq3A_285 = arith.constant 13 : i32
        %eq3A_286 = vector.broadcast %eq3A_285 : i32 to vector<16xi32>
        %eq3A_287 = arith.cmpi eq, %iota3A, %eq3A_286 : vector<16xi32>
        %broadcast_in_dim3A_288 = vector.broadcast %reduce_max3A_284 : f32 to vector<16xf32>
        %select_n3A_289 = arith.select %eq3A_287, %broadcast_in_dim3A_288, %select_n3A_274 : vector<16xi1>, vector<16xf32>
        %mul3A_290 = arith.constant 256 : i32
        %mul3A_291 = arith.muli %scan3A_77, %mul3A_290 : i32
        %add3A_292 = arith.constant 224 : i32
        %add3A_293 = arith.addi %mul3A_291, %add3A_292 : i32
        %get3A_294 = arith.index_cast %add3A_293 : i32 to index
        %get3A_295 = tpu.vector_load %arg15[%get3A_294] {strides = array<i32>} : memref<1280xf32, #tpu.memory_space<vmem>>, vector<16xf32>,
        %reduce_max3A_296 = arith.constant true
        %reduce_max3A_297 = vector.broadcast %reduce_max3A_296 : i1 to vector<16xi1>
        %reduce_max3A_298 = tpu.scan <max>, %get3A_295 masked %reduce_max3A_297 : vector<16xf32>, vector<16xi1> -> vector<16xf32>
        %reduce_max3A_299 = vector.extract %reduce_max3A_298[15] : f32 from vector<16xf32>
        %eq3A_300 = arith.constant 14 : i32
        %eq3A_301 = vector.broadcast %eq3A_300 : i32 to vector<16xi32>
        %eq3A_302 = arith.cmpi eq, %iota3A, %eq3A_301 : vector<16xi32>
        %broadcast_in_dim3A_303 = vector.broadcast %reduce_max3A_299 : f32 to vector<16xf32>
        %select_n3A_304 = arith.select %eq3A_302, %broadcast_in_dim3A_303, %select_n3A_289 : vector<16xi1>, vector<16xf32>
        %mul3A_305 = arith.constant 256 : i32
        %mul3A_306 = arith.muli %scan3A_77, %mul3A_305 : i32
        %add3A_307 = arith.constant 240 : i32
        %add3A_308 = arith.addi %mul3A_306, %add3A_307 : i32
        %get3A_309 = arith.index_cast %add3A_308 : i32 to index
        %get3A_310 = tpu.vector_load %arg15[%get3A_309] {strides = array<i32>} : memref<1280xf32, #tpu.memory_space<vmem>>, vector<16xf32>,
        %reduce_max3A_311 = arith.constant true
        %reduce_max3A_312 = vector.broadcast %reduce_max3A_311 : i1 to vector<16xi1>
        %reduce_max3A_313 = tpu.scan <max>, %get3A_310 masked %reduce_max3A_312 : vector<16xf32>, vector<16xi1> -> vector<16xf32>
        %reduce_max3A_314 = vector.extract %reduce_max3A_313[15] : f32 from vector<16xf32>
        %eq3A_315 = arith.constant 15 : i32
        %eq3A_316 = vector.broadcast %eq3A_315 : i32 to vector<16xi32>
        %eq3A_317 = arith.cmpi eq, %iota3A, %eq3A_316 : vector<16xi32>
        %broadcast_in_dim3A_318 = vector.broadcast %reduce_max3A_314 : f32 to vector<16xf32>
        %select_n3A_319 = arith.select %eq3A_317, %broadcast_in_dim3A_318, %select_n3A_304 : vector<16xi1>, vector<16xf32>
        %mul3A_320 = arith.constant 16 : i32
        %mul3A_321 = arith.muli %scan3A_77, %mul3A_320 : i32
        %swap3A_322 = arith.index_cast %mul3A_321 : i32 to index
        %swap3A_323 = tpu.vector_load %arg16[%swap3A_322] {strides = array<i32>} : memref<80xf32, #tpu.memory_space<vmem>>, vector<16xf32>,
        tpu.vector_store %arg16[%swap3A_322], %select_n3A_319 {strides = array<i32>} : memref<80xf32, #tpu.memory_space<vmem>>, vector<16xf32>,
        %scan3A_324 = arith.constant 0 : i32
        scf.yield %scan3A_324 : i32
      }
      %scan3A_67 = arith.constant 5 : i32
      %while3A = arith.constant 0 : i32
      %while3A_68 = arith.constant false
      %while3A_69:2 = scf.while (%while3A_77 = %while3A, %while3A_78 = %while3A_68) : (i32, i1) -> (i32, i1) {
        %lt3A = arith.constant 200 : i32
        %lt3A_79 = arith.cmpi slt, %while3A_77, %lt3A : i32
        %not3A = arith.constant true
        %not3A_80 = arith.xori %while3A_78, %not3A : i1
        %and3A = arith.andi %lt3A_79, %not3A_80 : i1
        scf.condition(%and3A) %while3A_77, %while3A_78 : i32, i1
      } do {
      ^bb0(%while3A_77: i32, %while3A_78: i1):
        %get3A_79 = arith.constant 0 : index
        %get3A_80 = tpu.vector_load %arg16[%get3A_79] {strides = array<i32>} : memref<80xf32, #tpu.memory_space<vmem>>, vector<16xf32>,
        %reduce_max3A = arith.constant true
        %reduce_max3A_81 = vector.broadcast %reduce_max3A : i1 to vector<16xi1>
        %reduce_max3A_82 = tpu.scan <max>, %get3A_80 masked %reduce_max3A_81 : vector<16xf32>, vector<16xi1> -> vector<16xf32>
        %reduce_max3A_83 = vector.extract %reduce_max3A_82[15] : f32 from vector<16xf32>
        %gt3A = arith.constant 0xFF800000 : f32
        %gt3A_84 = arith.cmpf ogt, %reduce_max3A_83, %gt3A : f32
        %jit3A_85 = arith.constant 0 : i32
        %jit3A_86 = arith.constant 0 : i32
        %select_n3A_87 = arith.select %gt3A_84, %jit3A_85, %jit3A_86 : i32
        %max3A = arith.constant 0xFF800000 : f32
        %max3A_88 = arith.maximumf %reduce_max3A_83, %max3A : f32
        %get3A_89 = arith.constant 16 : index
        %get3A_90 = tpu.vector_load %arg16[%get3A_89] {strides = array<i32>} : memref<80xf32, #tpu.memory_space<vmem>>, vector<16xf32>,
        %reduce_max3A_91 = arith.constant true
        %reduce_max3A_92 = vector.broadcast %reduce_max3A_91 : i1 to vector<16xi1>
        %reduce_max3A_93 = tpu.scan <max>, %get3A_90 masked %reduce_max3A_92 : vector<16xf32>, vector<16xi1> -> vector<16xf32>
        %reduce_max3A_94 = vector.extract %reduce_max3A_93[15] : f32 from vector<16xf32>
        %gt3A_95 = arith.cmpf ogt, %reduce_max3A_94, %max3A_88 : f32
        %jit3A_96 = arith.constant 1 : i32
        %select_n3A_97 = arith.select %gt3A_95, %jit3A_96, %select_n3A_87 : i32
        %max3A_98 = arith.maximumf %reduce_max3A_94, %max3A_88 : f32
        %get3A_99 = arith.constant 32 : index
        %get3A_100 = tpu.vector_load %arg16[%get3A_99] {strides = array<i32>} : memref<80xf32, #tpu.memory_space<vmem>>, vector<16xf32>,
        %reduce_max3A_101 = arith.constant true
        %reduce_max3A_102 = vector.broadcast %reduce_max3A_101 : i1 to vector<16xi1>
        %reduce_max3A_103 = tpu.scan <max>, %get3A_100 masked %reduce_max3A_102 : vector<16xf32>, vector<16xi1> -> vector<16xf32>
        %reduce_max3A_104 = vector.extract %reduce_max3A_103[15] : f32 from vector<16xf32>
        %gt3A_105 = arith.cmpf ogt, %reduce_max3A_104, %max3A_98 : f32
        %jit3A_106 = arith.constant 2 : i32
        %select_n3A_107 = arith.select %gt3A_105, %jit3A_106, %select_n3A_97 : i32
        %max3A_108 = arith.maximumf %reduce_max3A_104, %max3A_98 : f32
        %get3A_109 = arith.constant 48 : index
        %get3A_110 = tpu.vector_load %arg16[%get3A_109] {strides = array<i32>} : memref<80xf32, #tpu.memory_space<vmem>>, vector<16xf32>,
        %reduce_max3A_111 = arith.constant true
        %reduce_max3A_112 = vector.broadcast %reduce_max3A_111 : i1 to vector<16xi1>
        %reduce_max3A_113 = tpu.scan <max>, %get3A_110 masked %reduce_max3A_112 : vector<16xf32>, vector<16xi1> -> vector<16xf32>
        %reduce_max3A_114 = vector.extract %reduce_max3A_113[15] : f32 from vector<16xf32>
        %gt3A_115 = arith.cmpf ogt, %reduce_max3A_114, %max3A_108 : f32
        %jit3A_116 = arith.constant 3 : i32
        %select_n3A_117 = arith.select %gt3A_115, %jit3A_116, %select_n3A_107 : i32
        %max3A_118 = arith.maximumf %reduce_max3A_114, %max3A_108 : f32
        %get3A_119 = arith.constant 64 : index
        %get3A_120 = tpu.vector_load %arg16[%get3A_119] {strides = array<i32>} : memref<80xf32, #tpu.memory_space<vmem>>, vector<16xf32>,
        %reduce_max3A_121 = arith.constant true
        %reduce_max3A_122 = vector.broadcast %reduce_max3A_121 : i1 to vector<16xi1>
        %reduce_max3A_123 = tpu.scan <max>, %get3A_120 masked %reduce_max3A_122 : vector<16xf32>, vector<16xi1> -> vector<16xf32>
        %reduce_max3A_124 = vector.extract %reduce_max3A_123[15] : f32 from vector<16xf32>
        %gt3A_125 = arith.cmpf ogt, %reduce_max3A_124, %max3A_118 : f32
        %jit3A_126 = arith.constant 4 : i32
        %select_n3A_127 = arith.select %gt3A_125, %jit3A_126, %select_n3A_117 : i32
        %max3A_128 = arith.maximumf %reduce_max3A_124, %max3A_118 : f32
        %gt3A_129 = arith.constant 0xFF800000 : f32
        %gt3A_130 = arith.cmpf ogt, %max3A_128, %gt3A_129 : f32
        %mul3A_131 = arith.constant 16 : i32
        %mul3A_132 = arith.muli %select_n3A_127, %mul3A_131 : i32
        %multiple_of3A = tpu.assume_multiple %mul3A_132, 8 : i32
        %get3A_133 = arith.index_cast %multiple_of3A : i32 to index
        %get3A_134 = tpu.vector_load %arg16[%get3A_133] {strides = array<i32>} : memref<80xf32, #tpu.memory_space<vmem>>, vector<16xf32>,
        %eq3A_135 = vector.broadcast %max3A_128 : f32 to vector<16xf32>
        %eq3A_136 = arith.cmpf oeq, %get3A_134, %eq3A_135 : vector<16xf32>
        %not3A = arith.constant dense<true> : vector<16xi1>
        %not3A_137 = arith.xori %eq3A_136, %not3A : vector<16xi1>
        %convert_element_type3A_138 = arith.extui %not3A_137 : vector<16xi1> to vector<16xi32>
        %mul3A_139 = arith.constant 99 : i32
        %mul3A_140 = vector.broadcast %mul3A_139 : i32 to vector<16xi32>
        %mul3A_141 = arith.muli %convert_element_type3A_138, %mul3A_140 : vector<16xi32>
        %iota3A_142 = tpu.iota {dimensions = array<i32: 0>} : vector<16xi32>
        %add3A_143 = arith.addi %iota3A_142, %mul3A_141 : vector<16xi32>
        %reduce_min3A = arith.constant true
        %reduce_min3A_144 = vector.broadcast %reduce_min3A : i1 to vector<16xi1>
        %reduce_min3A_145 = arith.constant -2147483648 : i32
        %reduce_min3A_146 = vector.broadcast %reduce_min3A_145 : i32 to vector<16xi32>
        %reduce_min3A_147 = arith.xori %add3A_143, %reduce_min3A_146 : vector<16xi32>
        %reduce_min3A_148 = tpu.scan <min>, %reduce_min3A_147 masked %reduce_min3A_144 : vector<16xi32>, vector<16xi1> -> vector<16xi32>
        %reduce_min3A_149 = arith.xori %reduce_min3A_148, %reduce_min3A_146 : vector<16xi32>
        %reduce_min3A_150 = vector.extract %reduce_min3A_149[15] : i32 from vector<16xi32>
        %mul3A_151 = arith.constant 16 : i32
        %mul3A_152 = arith.muli %select_n3A_127, %mul3A_151 : i32
        %add3A_153 = arith.addi %mul3A_152, %reduce_min3A_150 : i32
        %mul3A_154 = arith.constant 16 : i32
        %mul3A_155 = arith.muli %add3A_153, %mul3A_154 : i32
        %multiple_of3A_156 = tpu.assume_multiple %mul3A_155, 8 : i32
        %get3A_157 = arith.index_cast %multiple_of3A_156 : i32 to index
        %get3A_158 = tpu.vector_load %arg15[%get3A_157] {strides = array<i32>} : memref<1280xf32, #tpu.memory_space<vmem>>, vector<16xf32>,
        %eq3A_159 = vector.broadcast %max3A_128 : f32 to vector<16xf32>
        %eq3A_160 = arith.cmpf oeq, %get3A_158, %eq3A_159 : vector<16xf32>
        %not3A_161 = arith.constant dense<true> : vector<16xi1>
        %not3A_162 = arith.xori %eq3A_160, %not3A_161 : vector<16xi1>
        %convert_element_type3A_163 = arith.extui %not3A_162 : vector<16xi1> to vector<16xi32>
        %mul3A_164 = arith.constant 99 : i32
        %mul3A_165 = vector.broadcast %mul3A_164 : i32 to vector<16xi32>
        %mul3A_166 = arith.muli %convert_element_type3A_163, %mul3A_165 : vector<16xi32>
        %iota3A_167 = tpu.iota {dimensions = array<i32: 0>} : vector<16xi32>
        %add3A_168 = arith.addi %iota3A_167, %mul3A_166 : vector<16xi32>
        %reduce_min3A_169 = arith.constant true
        %reduce_min3A_170 = vector.broadcast %reduce_min3A_169 : i1 to vector<16xi1>
        %reduce_min3A_171 = arith.constant -2147483648 : i32
        %reduce_min3A_172 = vector.broadcast %reduce_min3A_171 : i32 to vector<16xi32>
        %reduce_min3A_173 = arith.xori %add3A_168, %reduce_min3A_172 : vector<16xi32>
        %reduce_min3A_174 = tpu.scan <min>, %reduce_min3A_173 masked %reduce_min3A_170 : vector<16xi32>, vector<16xi1> -> vector<16xi32>
        %reduce_min3A_175 = arith.xori %reduce_min3A_174, %reduce_min3A_172 : vector<16xi32>
        %reduce_min3A_176 = vector.extract %reduce_min3A_175[15] : i32 from vector<16xi32>
        %mul3A_177 = arith.constant 16 : i32
        %mul3A_178 = arith.muli %add3A_153, %mul3A_177 : i32
        %add3A_179 = arith.addi %mul3A_178, %reduce_min3A_176 : i32
        %mul3A_180 = arith.constant 16 : i32
        %mul3A_181 = arith.muli %add3A_179, %mul3A_180 : i32
        %multiple_of3A_182 = tpu.assume_multiple %mul3A_181, 8 : i32
        %get3A_183 = arith.index_cast %multiple_of3A_182 : i32 to index
        %get3A_184 = tpu.vector_load %arg14[%get3A_183] {strides = array<i32>} : memref<20480xf32, #tpu.memory_space<vmem>>, vector<16xf32>,
        %eq3A_185 = vector.broadcast %max3A_128 : f32 to vector<16xf32>
        %eq3A_186 = arith.cmpf oeq, %get3A_184, %eq3A_185 : vector<16xf32>
        %not3A_187 = arith.constant dense<true> : vector<16xi1>
        %not3A_188 = arith.xori %eq3A_186, %not3A_187 : vector<16xi1>
        %convert_element_type3A_189 = arith.extui %not3A_188 : vector<16xi1> to vector<16xi32>
        %mul3A_190 = arith.constant 99 : i32
        %mul3A_191 = vector.broadcast %mul3A_190 : i32 to vector<16xi32>
        %mul3A_192 = arith.muli %convert_element_type3A_189, %mul3A_191 : vector<16xi32>
        %iota3A_193 = tpu.iota {dimensions = array<i32: 0>} : vector<16xi32>
        %add3A_194 = arith.addi %iota3A_193, %mul3A_192 : vector<16xi32>
        %reduce_min3A_195 = arith.constant true
        %reduce_min3A_196 = vector.broadcast %reduce_min3A_195 : i1 to vector<16xi1>
        %reduce_min3A_197 = arith.constant -2147483648 : i32
        %reduce_min3A_198 = vector.broadcast %reduce_min3A_197 : i32 to vector<16xi32>
        %reduce_min3A_199 = arith.xori %add3A_194, %reduce_min3A_198 : vector<16xi32>
        %reduce_min3A_200 = tpu.scan <min>, %reduce_min3A_199 masked %reduce_min3A_196 : vector<16xi32>, vector<16xi1> -> vector<16xi32>
        %reduce_min3A_201 = arith.xori %reduce_min3A_200, %reduce_min3A_198 : vector<16xi32>
        %reduce_min3A_202 = vector.extract %reduce_min3A_201[15] : i32 from vector<16xi32>
        %mul3A_203 = arith.constant 16 : i32
        %mul3A_204 = arith.muli %add3A_179, %mul3A_203 : i32
        %add3A_205 = arith.addi %mul3A_204, %reduce_min3A_202 : i32
        %get3A_206 = arith.index_cast %multiple_of3A_182 : i32 to index
        %get3A_207 = tpu.vector_load %arg10[%get3A_206] {strides = array<i32>} : memref<20480xf32, #tpu.memory_space<vmem>>, vector<16xf32>,
        %iota3A_208 = tpu.iota {dimensions = array<i32: 0>} : vector<16xi32>
        %eq3A_209 = vector.broadcast %reduce_min3A_202 : i32 to vector<16xi32>
        %eq3A_210 = arith.cmpi eq, %iota3A_208, %eq3A_209 : vector<16xi32>
        %convert_element_type3A_211 = arith.extui %eq3A_210 : vector<16xi1> to vector<16xi32>
        %convert_element_type3A_212 = arith.sitofp %convert_element_type3A_211 : vector<16xi32> to vector<16xf32>
        %mul3A_213 = arith.mulf %get3A_207, %convert_element_type3A_212 : vector<16xf32>
        %reduce_sum3A_214 = arith.constant true
        %reduce_sum3A_215 = vector.broadcast %reduce_sum3A_214 : i1 to vector<16xi1>
        %reduce_sum3A_216 = tpu.scan <sum>, %mul3A_213 masked %reduce_sum3A_215 : vector<16xf32>, vector<16xi1> -> vector<16xf32>
        %reduce_sum3A_217 = vector.extract %reduce_sum3A_216[15] : f32 from vector<16xf32>
        %get3A_218 = arith.index_cast %multiple_of3A_182 : i32 to index
        %get3A_219 = tpu.vector_load %arg11[%get3A_218] {strides = array<i32>} : memref<20480xf32, #tpu.memory_space<vmem>>, vector<16xf32>,
        %iota3A_220 = tpu.iota {dimensions = array<i32: 0>} : vector<16xi32>
        %eq3A_221 = vector.broadcast %reduce_min3A_202 : i32 to vector<16xi32>
        %eq3A_222 = arith.cmpi eq, %iota3A_220, %eq3A_221 : vector<16xi32>
        %convert_element_type3A_223 = arith.extui %eq3A_222 : vector<16xi1> to vector<16xi32>
        %convert_element_type3A_224 = arith.sitofp %convert_element_type3A_223 : vector<16xi32> to vector<16xf32>
        %mul3A_225 = arith.mulf %get3A_219, %convert_element_type3A_224 : vector<16xf32>
        %reduce_sum3A_226 = arith.constant true
        %reduce_sum3A_227 = vector.broadcast %reduce_sum3A_226 : i1 to vector<16xi1>
        %reduce_sum3A_228 = tpu.scan <sum>, %mul3A_225 masked %reduce_sum3A_227 : vector<16xf32>, vector<16xi1> -> vector<16xf32>
        %reduce_sum3A_229 = vector.extract %reduce_sum3A_228[15] : f32 from vector<16xf32>
        %get3A_230 = arith.index_cast %multiple_of3A_182 : i32 to index
        %get3A_231 = tpu.vector_load %arg12[%get3A_230] {strides = array<i32>} : memref<20480xf32, #tpu.memory_space<vmem>>, vector<16xf32>,
        %iota3A_232 = tpu.iota {dimensions = array<i32: 0>} : vector<16xi32>
        %eq3A_233 = vector.broadcast %reduce_min3A_202 : i32 to vector<16xi32>
        %eq3A_234 = arith.cmpi eq, %iota3A_232, %eq3A_233 : vector<16xi32>
        %convert_element_type3A_235 = arith.extui %eq3A_234 : vector<16xi1> to vector<16xi32>
        %convert_element_type3A_236 = arith.sitofp %convert_element_type3A_235 : vector<16xi32> to vector<16xf32>
        %mul3A_237 = arith.mulf %get3A_231, %convert_element_type3A_236 : vector<16xf32>
        %reduce_sum3A_238 = arith.constant true
        %reduce_sum3A_239 = vector.broadcast %reduce_sum3A_238 : i1 to vector<16xi1>
        %reduce_sum3A_240 = tpu.scan <sum>, %mul3A_237 masked %reduce_sum3A_239 : vector<16xf32>, vector<16xi1> -> vector<16xf32>
        %reduce_sum3A_241 = vector.extract %reduce_sum3A_240[15] : f32 from vector<16xf32>
        %get3A_242 = arith.index_cast %multiple_of3A_182 : i32 to index
        %get3A_243 = tpu.vector_load %arg13[%get3A_242] {strides = array<i32>} : memref<20480xf32, #tpu.memory_space<vmem>>, vector<16xf32>,
        %iota3A_244 = tpu.iota {dimensions = array<i32: 0>} : vector<16xi32>
        %eq3A_245 = vector.broadcast %reduce_min3A_202 : i32 to vector<16xi32>
        %eq3A_246 = arith.cmpi eq, %iota3A_244, %eq3A_245 : vector<16xi32>
        %convert_element_type3A_247 = arith.extui %eq3A_246 : vector<16xi1> to vector<16xi32>
        %convert_element_type3A_248 = arith.sitofp %convert_element_type3A_247 : vector<16xi32> to vector<16xf32>
        %mul3A_249 = arith.mulf %get3A_243, %convert_element_type3A_248 : vector<16xf32>
        %reduce_sum3A_250 = arith.constant true
        %reduce_sum3A_251 = vector.broadcast %reduce_sum3A_250 : i1 to vector<16xi1>
        %reduce_sum3A_252 = tpu.scan <sum>, %mul3A_249 masked %reduce_sum3A_251 : vector<16xf32>, vector<16xi1> -> vector<16xf32>
        %reduce_sum3A_253 = vector.extract %reduce_sum3A_252[15] : f32 from vector<16xf32>
        %sub3A = arith.subf %reduce_sum3A_241, %reduce_sum3A_217 : f32
        %sub3A_254 = arith.subf %reduce_sum3A_253, %reduce_sum3A_229 : f32
        %mul3A_255 = arith.mulf %sub3A, %sub3A_254 : f32
        %broadcast_in_dim3A_256 = arith.constant 0.000000e+00 : f32
        %broadcast_in_dim3A_257 = vector.broadcast %broadcast_in_dim3A_256 : f32 to vector<16xf32>
        %get3A_258 = arith.constant 0 : index
        %get3A_259 = tpu.vector_load %arg20[%get3A_258] {strides = array<i32>} : memref<208xf32, #tpu.memory_space<vmem>>, vector<16xf32>,
        %max3A_260 = vector.broadcast %reduce_sum3A_217 : f32 to vector<16xf32>
        %max3A_261 = arith.maximumf %max3A_260, %get3A_259 : vector<16xf32>
        %get3A_262 = arith.constant 0 : index
        %get3A_263 = tpu.vector_load %arg21[%get3A_262] {strides = array<i32>} : memref<208xf32, #tpu.memory_space<vmem>>, vector<16xf32>,
        %max3A_264 = vector.broadcast %reduce_sum3A_229 : f32 to vector<16xf32>
        %max3A_265 = arith.maximumf %max3A_264, %get3A_263 : vector<16xf32>
        %get3A_266 = arith.constant 0 : index
        %get3A_267 = tpu.vector_load %arg22[%get3A_266] {strides = array<i32>} : memref<208xf32, #tpu.memory_space<vmem>>, vector<16xf32>,
        %min3A = vector.broadcast %reduce_sum3A_241 : f32 to vector<16xf32>
        %min3A_268 = arith.minimumf %min3A, %get3A_267 : vector<16xf32>
        %get3A_269 = arith.constant 0 : index
        %get3A_270 = tpu.vector_load %arg23[%get3A_269] {strides = array<i32>} : memref<208xf32, #tpu.memory_space<vmem>>, vector<16xf32>,
        %min3A_271 = vector.broadcast %reduce_sum3A_253 : f32 to vector<16xf32>
        %min3A_272 = arith.minimumf %min3A_271, %get3A_270 : vector<16xf32>
        %sub3A_273 = arith.subf %min3A_268, %max3A_261 : vector<16xf32>
        %jit3A_274 = arith.constant 0.000000e+00 : f32
        %max3A_275 = vector.broadcast %jit3A_274 : f32 to vector<16xf32>
        %max3A_276 = arith.maximumf %max3A_275, %sub3A_273 : vector<16xf32>
        %sub3A_277 = arith.subf %min3A_272, %max3A_265 : vector<16xf32>
        %jit3A_278 = arith.constant 0.000000e+00 : f32
        %max3A_279 = vector.broadcast %jit3A_278 : f32 to vector<16xf32>
        %max3A_280 = arith.maximumf %max3A_279, %sub3A_277 : vector<16xf32>
        %mul3A_281 = arith.mulf %max3A_276, %max3A_280 : vector<16xf32>
        %get3A_282 = arith.constant 0 : index
        %get3A_283 = tpu.vector_load %arg24[%get3A_282] {strides = array<i32>} : memref<208xf32, #tpu.memory_space<vmem>>, vector<16xf32>,
        %add3A_284 = vector.broadcast %mul3A_255 : f32 to vector<16xf32>
        %add3A_285 = arith.addf %add3A_284, %get3A_283 : vector<16xf32>
        %sub3A_286 = arith.subf %add3A_285, %mul3A_281 : vector<16xf32>
        %max3A_287 = arith.constant 9.99999997E-7 : f32
        %max3A_288 = vector.broadcast %max3A_287 : f32 to vector<16xf32>
        %max3A_289 = arith.maximumf %sub3A_286, %max3A_288 : vector<16xf32>
        %div3A = arith.divf %mul3A_281, %max3A_289 : vector<16xf32>
        %ge3A = vector.broadcast %reduce_sum3A_12 : f32 to vector<16xf32>
        %ge3A_290 = arith.cmpf oge, %div3A, %ge3A : vector<16xf32>
        %add3A_291 = arith.constant 0 : i32
        %add3A_292 = vector.broadcast %add3A_291 : i32 to vector<16xi32>
        %add3A_293 = arith.addi %add3A_292, %iota3A : vector<16xi32>
        %lt3A = vector.broadcast %while3A_77 : i32 to vector<16xi32>
        %lt3A_294 = arith.cmpi slt, %add3A_293, %lt3A : vector<16xi32>
        %and3A = arith.andi %ge3A_290, %lt3A_294 : vector<16xi1>
        %jit3A_295 = arith.constant 1.000000e+00 : f32
        %jit3A_296 = arith.constant 0.000000e+00 : f32
        %broadcast_in_dim3A_297 = vector.broadcast %jit3A_295 : f32 to vector<16xf32>
        %broadcast_in_dim3A_298 = vector.broadcast %jit3A_296 : f32 to vector<16xf32>
        %select_n3A_299 = arith.select %and3A, %broadcast_in_dim3A_297, %broadcast_in_dim3A_298 : vector<16xi1>, vector<16xf32>
        %max3A_300 = arith.maximumf %broadcast_in_dim3A_257, %select_n3A_299 : vector<16xf32>
        %get3A_301 = arith.constant 16 : index
        %get3A_302 = tpu.vector_load %arg20[%get3A_301] {strides = array<i32>} : memref<208xf32, #tpu.memory_space<vmem>>, vector<16xf32>,
        %max3A_303 = vector.broadcast %reduce_sum3A_217 : f32 to vector<16xf32>
        %max3A_304 = arith.maximumf %max3A_303, %get3A_302 : vector<16xf32>
        %get3A_305 = arith.constant 16 : index
        %get3A_306 = tpu.vector_load %arg21[%get3A_305] {strides = array<i32>} : memref<208xf32, #tpu.memory_space<vmem>>, vector<16xf32>,
        %max3A_307 = vector.broadcast %reduce_sum3A_229 : f32 to vector<16xf32>
        %max3A_308 = arith.maximumf %max3A_307, %get3A_306 : vector<16xf32>
        %get3A_309 = arith.constant 16 : index
        %get3A_310 = tpu.vector_load %arg22[%get3A_309] {strides = array<i32>} : memref<208xf32, #tpu.memory_space<vmem>>, vector<16xf32>,
        %min3A_311 = vector.broadcast %reduce_sum3A_241 : f32 to vector<16xf32>
        %min3A_312 = arith.minimumf %min3A_311, %get3A_310 : vector<16xf32>
        %get3A_313 = arith.constant 16 : index
        %get3A_314 = tpu.vector_load %arg23[%get3A_313] {strides = array<i32>} : memref<208xf32, #tpu.memory_space<vmem>>, vector<16xf32>,
        %min3A_315 = vector.broadcast %reduce_sum3A_253 : f32 to vector<16xf32>
        %min3A_316 = arith.minimumf %min3A_315, %get3A_314 : vector<16xf32>
        %sub3A_317 = arith.subf %min3A_312, %max3A_304 : vector<16xf32>
        %jit3A_318 = arith.constant 0.000000e+00 : f32
        %max3A_319 = vector.broadcast %jit3A_318 : f32 to vector<16xf32>
        %max3A_320 = arith.maximumf %max3A_319, %sub3A_317 : vector<16xf32>
        %sub3A_321 = arith.subf %min3A_316, %max3A_308 : vector<16xf32>
        %jit3A_322 = arith.constant 0.000000e+00 : f32
        %max3A_323 = vector.broadcast %jit3A_322 : f32 to vector<16xf32>
        %max3A_324 = arith.maximumf %max3A_323, %sub3A_321 : vector<16xf32>
        %mul3A_325 = arith.mulf %max3A_320, %max3A_324 : vector<16xf32>
        %get3A_326 = arith.constant 16 : index
        %get3A_327 = tpu.vector_load %arg24[%get3A_326] {strides = array<i32>} : memref<208xf32, #tpu.memory_space<vmem>>, vector<16xf32>,
        %add3A_328 = vector.broadcast %mul3A_255 : f32 to vector<16xf32>
        %add3A_329 = arith.addf %add3A_328, %get3A_327 : vector<16xf32>
        %sub3A_330 = arith.subf %add3A_329, %mul3A_325 : vector<16xf32>
        %max3A_331 = arith.constant 9.99999997E-7 : f32
        %max3A_332 = vector.broadcast %max3A_331 : f32 to vector<16xf32>
        %max3A_333 = arith.maximumf %sub3A_330, %max3A_332 : vector<16xf32>
        %div3A_334 = arith.divf %mul3A_325, %max3A_333 : vector<16xf32>
        %ge3A_335 = vector.broadcast %reduce_sum3A_12 : f32 to vector<16xf32>
        %ge3A_336 = arith.cmpf oge, %div3A_334, %ge3A_335 : vector<16xf32>
        %add3A_337 = arith.constant 16 : i32
        %add3A_338 = vector.broadcast %add3A_337 : i32 to vector<16xi32>
        %add3A_339 = arith.addi %add3A_338, %iota3A : vector<16xi32>
        %lt3A_340 = vector.broadcast %while3A_77 : i32 to vector<16xi32>
        %lt3A_341 = arith.cmpi slt, %add3A_339, %lt3A_340 : vector<16xi32>
        %and3A_342 = arith.andi %ge3A_336, %lt3A_341 : vector<16xi1>
        %jit3A_343 = arith.constant 1.000000e+00 : f32
        %jit3A_344 = arith.constant 0.000000e+00 : f32
        %broadcast_in_dim3A_345 = vector.broadcast %jit3A_343 : f32 to vector<16xf32>
        %broadcast_in_dim3A_346 = vector.broadcast %jit3A_344 : f32 to vector<16xf32>
        %select_n3A_347 = arith.select %and3A_342, %broadcast_in_dim3A_345, %broadcast_in_dim3A_346 : vector<16xi1>, vector<16xf32>
        %max3A_348 = arith.maximumf %max3A_300, %select_n3A_347 : vector<16xf32>
        %get3A_349 = arith.constant 32 : index
        %get3A_350 = tpu.vector_load %arg20[%get3A_349] {strides = array<i32>} : memref<208xf32, #tpu.memory_space<vmem>>, vector<16xf32>,
        %max3A_351 = vector.broadcast %reduce_sum3A_217 : f32 to vector<16xf32>
        %max3A_352 = arith.maximumf %max3A_351, %get3A_350 : vector<16xf32>
        %get3A_353 = arith.constant 32 : index
        %get3A_354 = tpu.vector_load %arg21[%get3A_353] {strides = array<i32>} : memref<208xf32, #tpu.memory_space<vmem>>, vector<16xf32>,
        %max3A_355 = vector.broadcast %reduce_sum3A_229 : f32 to vector<16xf32>
        %max3A_356 = arith.maximumf %max3A_355, %get3A_354 : vector<16xf32>
        %get3A_357 = arith.constant 32 : index
        %get3A_358 = tpu.vector_load %arg22[%get3A_357] {strides = array<i32>} : memref<208xf32, #tpu.memory_space<vmem>>, vector<16xf32>,
        %min3A_359 = vector.broadcast %reduce_sum3A_241 : f32 to vector<16xf32>
        %min3A_360 = arith.minimumf %min3A_359, %get3A_358 : vector<16xf32>
        %get3A_361 = arith.constant 32 : index
        %get3A_362 = tpu.vector_load %arg23[%get3A_361] {strides = array<i32>} : memref<208xf32, #tpu.memory_space<vmem>>, vector<16xf32>,
        %min3A_363 = vector.broadcast %reduce_sum3A_253 : f32 to vector<16xf32>
        %min3A_364 = arith.minimumf %min3A_363, %get3A_362 : vector<16xf32>
        %sub3A_365 = arith.subf %min3A_360, %max3A_352 : vector<16xf32>
        %jit3A_366 = arith.constant 0.000000e+00 : f32
        %max3A_367 = vector.broadcast %jit3A_366 : f32 to vector<16xf32>
        %max3A_368 = arith.maximumf %max3A_367, %sub3A_365 : vector<16xf32>
        %sub3A_369 = arith.subf %min3A_364, %max3A_356 : vector<16xf32>
        %jit3A_370 = arith.constant 0.000000e+00 : f32
        %max3A_371 = vector.broadcast %jit3A_370 : f32 to vector<16xf32>
        %max3A_372 = arith.maximumf %max3A_371, %sub3A_369 : vector<16xf32>
        %mul3A_373 = arith.mulf %max3A_368, %max3A_372 : vector<16xf32>
        %get3A_374 = arith.constant 32 : index
        %get3A_375 = tpu.vector_load %arg24[%get3A_374] {strides = array<i32>} : memref<208xf32, #tpu.memory_space<vmem>>, vector<16xf32>,
        %add3A_376 = vector.broadcast %mul3A_255 : f32 to vector<16xf32>
        %add3A_377 = arith.addf %add3A_376, %get3A_375 : vector<16xf32>
        %sub3A_378 = arith.subf %add3A_377, %mul3A_373 : vector<16xf32>
        %max3A_379 = arith.constant 9.99999997E-7 : f32
        %max3A_380 = vector.broadcast %max3A_379 : f32 to vector<16xf32>
        %max3A_381 = arith.maximumf %sub3A_378, %max3A_380 : vector<16xf32>
        %div3A_382 = arith.divf %mul3A_373, %max3A_381 : vector<16xf32>
        %ge3A_383 = vector.broadcast %reduce_sum3A_12 : f32 to vector<16xf32>
        %ge3A_384 = arith.cmpf oge, %div3A_382, %ge3A_383 : vector<16xf32>
        %add3A_385 = arith.constant 32 : i32
        %add3A_386 = vector.broadcast %add3A_385 : i32 to vector<16xi32>
        %add3A_387 = arith.addi %add3A_386, %iota3A : vector<16xi32>
        %lt3A_388 = vector.broadcast %while3A_77 : i32 to vector<16xi32>
        %lt3A_389 = arith.cmpi slt, %add3A_387, %lt3A_388 : vector<16xi32>
        %and3A_390 = arith.andi %ge3A_384, %lt3A_389 : vector<16xi1>
        %jit3A_391 = arith.constant 1.000000e+00 : f32
        %jit3A_392 = arith.constant 0.000000e+00 : f32
        %broadcast_in_dim3A_393 = vector.broadcast %jit3A_391 : f32 to vector<16xf32>
        %broadcast_in_dim3A_394 = vector.broadcast %jit3A_392 : f32 to vector<16xf32>
        %select_n3A_395 = arith.select %and3A_390, %broadcast_in_dim3A_393, %broadcast_in_dim3A_394 : vector<16xi1>, vector<16xf32>
        %max3A_396 = arith.maximumf %max3A_348, %select_n3A_395 : vector<16xf32>
        %get3A_397 = arith.constant 48 : index
        %get3A_398 = tpu.vector_load %arg20[%get3A_397] {strides = array<i32>} : memref<208xf32, #tpu.memory_space<vmem>>, vector<16xf32>,
        %max3A_399 = vector.broadcast %reduce_sum3A_217 : f32 to vector<16xf32>
        %max3A_400 = arith.maximumf %max3A_399, %get3A_398 : vector<16xf32>
        %get3A_401 = arith.constant 48 : index
        %get3A_402 = tpu.vector_load %arg21[%get3A_401] {strides = array<i32>} : memref<208xf32, #tpu.memory_space<vmem>>, vector<16xf32>,
        %max3A_403 = vector.broadcast %reduce_sum3A_229 : f32 to vector<16xf32>
        %max3A_404 = arith.maximumf %max3A_403, %get3A_402 : vector<16xf32>
        %get3A_405 = arith.constant 48 : index
        %get3A_406 = tpu.vector_load %arg22[%get3A_405] {strides = array<i32>} : memref<208xf32, #tpu.memory_space<vmem>>, vector<16xf32>,
        %min3A_407 = vector.broadcast %reduce_sum3A_241 : f32 to vector<16xf32>
        %min3A_408 = arith.minimumf %min3A_407, %get3A_406 : vector<16xf32>
        %get3A_409 = arith.constant 48 : index
        %get3A_410 = tpu.vector_load %arg23[%get3A_409] {strides = array<i32>} : memref<208xf32, #tpu.memory_space<vmem>>, vector<16xf32>,
        %min3A_411 = vector.broadcast %reduce_sum3A_253 : f32 to vector<16xf32>
        %min3A_412 = arith.minimumf %min3A_411, %get3A_410 : vector<16xf32>
        %sub3A_413 = arith.subf %min3A_408, %max3A_400 : vector<16xf32>
        %jit3A_414 = arith.constant 0.000000e+00 : f32
        %max3A_415 = vector.broadcast %jit3A_414 : f32 to vector<16xf32>
        %max3A_416 = arith.maximumf %max3A_415, %sub3A_413 : vector<16xf32>
        %sub3A_417 = arith.subf %min3A_412, %max3A_404 : vector<16xf32>
        %jit3A_418 = arith.constant 0.000000e+00 : f32
        %max3A_419 = vector.broadcast %jit3A_418 : f32 to vector<16xf32>
        %max3A_420 = arith.maximumf %max3A_419, %sub3A_417 : vector<16xf32>
        %mul3A_421 = arith.mulf %max3A_416, %max3A_420 : vector<16xf32>
        %get3A_422 = arith.constant 48 : index
        %get3A_423 = tpu.vector_load %arg24[%get3A_422] {strides = array<i32>} : memref<208xf32, #tpu.memory_space<vmem>>, vector<16xf32>,
        %add3A_424 = vector.broadcast %mul3A_255 : f32 to vector<16xf32>
        %add3A_425 = arith.addf %add3A_424, %get3A_423 : vector<16xf32>
        %sub3A_426 = arith.subf %add3A_425, %mul3A_421 : vector<16xf32>
        %max3A_427 = arith.constant 9.99999997E-7 : f32
        %max3A_428 = vector.broadcast %max3A_427 : f32 to vector<16xf32>
        %max3A_429 = arith.maximumf %sub3A_426, %max3A_428 : vector<16xf32>
        %div3A_430 = arith.divf %mul3A_421, %max3A_429 : vector<16xf32>
        %ge3A_431 = vector.broadcast %reduce_sum3A_12 : f32 to vector<16xf32>
        %ge3A_432 = arith.cmpf oge, %div3A_430, %ge3A_431 : vector<16xf32>
        %add3A_433 = arith.constant 48 : i32
        %add3A_434 = vector.broadcast %add3A_433 : i32 to vector<16xi32>
        %add3A_435 = arith.addi %add3A_434, %iota3A : vector<16xi32>
        %lt3A_436 = vector.broadcast %while3A_77 : i32 to vector<16xi32>
        %lt3A_437 = arith.cmpi slt, %add3A_435, %lt3A_436 : vector<16xi32>
        %and3A_438 = arith.andi %ge3A_432, %lt3A_437 : vector<16xi1>
        %jit3A_439 = arith.constant 1.000000e+00 : f32
        %jit3A_440 = arith.constant 0.000000e+00 : f32
        %broadcast_in_dim3A_441 = vector.broadcast %jit3A_439 : f32 to vector<16xf32>
        %broadcast_in_dim3A_442 = vector.broadcast %jit3A_440 : f32 to vector<16xf32>
        %select_n3A_443 = arith.select %and3A_438, %broadcast_in_dim3A_441, %broadcast_in_dim3A_442 : vector<16xi1>, vector<16xf32>
        %max3A_444 = arith.maximumf %max3A_396, %select_n3A_443 : vector<16xf32>
        %get3A_445 = arith.constant 64 : index
        %get3A_446 = tpu.vector_load %arg20[%get3A_445] {strides = array<i32>} : memref<208xf32, #tpu.memory_space<vmem>>, vector<16xf32>,
        %max3A_447 = vector.broadcast %reduce_sum3A_217 : f32 to vector<16xf32>
        %max3A_448 = arith.maximumf %max3A_447, %get3A_446 : vector<16xf32>
        %get3A_449 = arith.constant 64 : index
        %get3A_450 = tpu.vector_load %arg21[%get3A_449] {strides = array<i32>} : memref<208xf32, #tpu.memory_space<vmem>>, vector<16xf32>,
        %max3A_451 = vector.broadcast %reduce_sum3A_229 : f32 to vector<16xf32>
        %max3A_452 = arith.maximumf %max3A_451, %get3A_450 : vector<16xf32>
        %get3A_453 = arith.constant 64 : index
        %get3A_454 = tpu.vector_load %arg22[%get3A_453] {strides = array<i32>} : memref<208xf32, #tpu.memory_space<vmem>>, vector<16xf32>,
        %min3A_455 = vector.broadcast %reduce_sum3A_241 : f32 to vector<16xf32>
        %min3A_456 = arith.minimumf %min3A_455, %get3A_454 : vector<16xf32>
        %get3A_457 = arith.constant 64 : index
        %get3A_458 = tpu.vector_load %arg23[%get3A_457] {strides = array<i32>} : memref<208xf32, #tpu.memory_space<vmem>>, vector<16xf32>,
        %min3A_459 = vector.broadcast %reduce_sum3A_253 : f32 to vector<16xf32>
        %min3A_460 = arith.minimumf %min3A_459, %get3A_458 : vector<16xf32>
        %sub3A_461 = arith.subf %min3A_456, %max3A_448 : vector<16xf32>
        %jit3A_462 = arith.constant 0.000000e+00 : f32
        %max3A_463 = vector.broadcast %jit3A_462 : f32 to vector<16xf32>
        %max3A_464 = arith.maximumf %max3A_463, %sub3A_461 : vector<16xf32>
        %sub3A_465 = arith.subf %min3A_460, %max3A_452 : vector<16xf32>
        %jit3A_466 = arith.constant 0.000000e+00 : f32
        %max3A_467 = vector.broadcast %jit3A_466 : f32 to vector<16xf32>
        %max3A_468 = arith.maximumf %max3A_467, %sub3A_465 : vector<16xf32>
        %mul3A_469 = arith.mulf %max3A_464, %max3A_468 : vector<16xf32>
        %get3A_470 = arith.constant 64 : index
        %get3A_471 = tpu.vector_load %arg24[%get3A_470] {strides = array<i32>} : memref<208xf32, #tpu.memory_space<vmem>>, vector<16xf32>,
        %add3A_472 = vector.broadcast %mul3A_255 : f32 to vector<16xf32>
        %add3A_473 = arith.addf %add3A_472, %get3A_471 : vector<16xf32>
        %sub3A_474 = arith.subf %add3A_473, %mul3A_469 : vector<16xf32>
        %max3A_475 = arith.constant 9.99999997E-7 : f32
        %max3A_476 = vector.broadcast %max3A_475 : f32 to vector<16xf32>
        %max3A_477 = arith.maximumf %sub3A_474, %max3A_476 : vector<16xf32>
        %div3A_478 = arith.divf %mul3A_469, %max3A_477 : vector<16xf32>
        %ge3A_479 = vector.broadcast %reduce_sum3A_12 : f32 to vector<16xf32>
        %ge3A_480 = arith.cmpf oge, %div3A_478, %ge3A_479 : vector<16xf32>
        %add3A_481 = arith.constant 64 : i32
        %add3A_482 = vector.broadcast %add3A_481 : i32 to vector<16xi32>
        %add3A_483 = arith.addi %add3A_482, %iota3A : vector<16xi32>
        %lt3A_484 = vector.broadcast %while3A_77 : i32 to vector<16xi32>
        %lt3A_485 = arith.cmpi slt, %add3A_483, %lt3A_484 : vector<16xi32>
        %and3A_486 = arith.andi %ge3A_480, %lt3A_485 : vector<16xi1>
        %jit3A_487 = arith.constant 1.000000e+00 : f32
        %jit3A_488 = arith.constant 0.000000e+00 : f32
        %broadcast_in_dim3A_489 = vector.broadcast %jit3A_487 : f32 to vector<16xf32>
        %broadcast_in_dim3A_490 = vector.broadcast %jit3A_488 : f32 to vector<16xf32>
        %select_n3A_491 = arith.select %and3A_486, %broadcast_in_dim3A_489, %broadcast_in_dim3A_490 : vector<16xi1>, vector<16xf32>
        %max3A_492 = arith.maximumf %max3A_444, %select_n3A_491 : vector<16xf32>
        %get3A_493 = arith.constant 80 : index
        %get3A_494 = tpu.vector_load %arg20[%get3A_493] {strides = array<i32>} : memref<208xf32, #tpu.memory_space<vmem>>, vector<16xf32>,
        %max3A_495 = vector.broadcast %reduce_sum3A_217 : f32 to vector<16xf32>
        %max3A_496 = arith.maximumf %max3A_495, %get3A_494 : vector<16xf32>
        %get3A_497 = arith.constant 80 : index
        %get3A_498 = tpu.vector_load %arg21[%get3A_497] {strides = array<i32>} : memref<208xf32, #tpu.memory_space<vmem>>, vector<16xf32>,
        %max3A_499 = vector.broadcast %reduce_sum3A_229 : f32 to vector<16xf32>
        %max3A_500 = arith.maximumf %max3A_499, %get3A_498 : vector<16xf32>
        %get3A_501 = arith.constant 80 : index
        %get3A_502 = tpu.vector_load %arg22[%get3A_501] {strides = array<i32>} : memref<208xf32, #tpu.memory_space<vmem>>, vector<16xf32>,
        %min3A_503 = vector.broadcast %reduce_sum3A_241 : f32 to vector<16xf32>
        %min3A_504 = arith.minimumf %min3A_503, %get3A_502 : vector<16xf32>
        %get3A_505 = arith.constant 80 : index
        %get3A_506 = tpu.vector_load %arg23[%get3A_505] {strides = array<i32>} : memref<208xf32, #tpu.memory_space<vmem>>, vector<16xf32>,
        %min3A_507 = vector.broadcast %reduce_sum3A_253 : f32 to vector<16xf32>
        %min3A_508 = arith.minimumf %min3A_507, %get3A_506 : vector<16xf32>
        %sub3A_509 = arith.subf %min3A_504, %max3A_496 : vector<16xf32>
        %jit3A_510 = arith.constant 0.000000e+00 : f32
        %max3A_511 = vector.broadcast %jit3A_510 : f32 to vector<16xf32>
        %max3A_512 = arith.maximumf %max3A_511, %sub3A_509 : vector<16xf32>
        %sub3A_513 = arith.subf %min3A_508, %max3A_500 : vector<16xf32>
        %jit3A_514 = arith.constant 0.000000e+00 : f32
        %max3A_515 = vector.broadcast %jit3A_514 : f32 to vector<16xf32>
        %max3A_516 = arith.maximumf %max3A_515, %sub3A_513 : vector<16xf32>
        %mul3A_517 = arith.mulf %max3A_512, %max3A_516 : vector<16xf32>
        %get3A_518 = arith.constant 80 : index
        %get3A_519 = tpu.vector_load %arg24[%get3A_518] {strides = array<i32>} : memref<208xf32, #tpu.memory_space<vmem>>, vector<16xf32>,
        %add3A_520 = vector.broadcast %mul3A_255 : f32 to vector<16xf32>
        %add3A_521 = arith.addf %add3A_520, %get3A_519 : vector<16xf32>
        %sub3A_522 = arith.subf %add3A_521, %mul3A_517 : vector<16xf32>
        %max3A_523 = arith.constant 9.99999997E-7 : f32
        %max3A_524 = vector.broadcast %max3A_523 : f32 to vector<16xf32>
        %max3A_525 = arith.maximumf %sub3A_522, %max3A_524 : vector<16xf32>
        %div3A_526 = arith.divf %mul3A_517, %max3A_525 : vector<16xf32>
        %ge3A_527 = vector.broadcast %reduce_sum3A_12 : f32 to vector<16xf32>
        %ge3A_528 = arith.cmpf oge, %div3A_526, %ge3A_527 : vector<16xf32>
        %add3A_529 = arith.constant 80 : i32
        %add3A_530 = vector.broadcast %add3A_529 : i32 to vector<16xi32>
        %add3A_531 = arith.addi %add3A_530, %iota3A : vector<16xi32>
        %lt3A_532 = vector.broadcast %while3A_77 : i32 to vector<16xi32>
        %lt3A_533 = arith.cmpi slt, %add3A_531, %lt3A_532 : vector<16xi32>
        %and3A_534 = arith.andi %ge3A_528, %lt3A_533 : vector<16xi1>
        %jit3A_535 = arith.constant 1.000000e+00 : f32
        %jit3A_536 = arith.constant 0.000000e+00 : f32
        %broadcast_in_dim3A_537 = vector.broadcast %jit3A_535 : f32 to vector<16xf32>
        %broadcast_in_dim3A_538 = vector.broadcast %jit3A_536 : f32 to vector<16xf32>
        %select_n3A_539 = arith.select %and3A_534, %broadcast_in_dim3A_537, %broadcast_in_dim3A_538 : vector<16xi1>, vector<16xf32>
        %max3A_540 = arith.maximumf %max3A_492, %select_n3A_539 : vector<16xf32>
        %get3A_541 = arith.constant 96 : index
        %get3A_542 = tpu.vector_load %arg20[%get3A_541] {strides = array<i32>} : memref<208xf32, #tpu.memory_space<vmem>>, vector<16xf32>,
        %max3A_543 = vector.broadcast %reduce_sum3A_217 : f32 to vector<16xf32>
        %max3A_544 = arith.maximumf %max3A_543, %get3A_542 : vector<16xf32>
        %get3A_545 = arith.constant 96 : index
        %get3A_546 = tpu.vector_load %arg21[%get3A_545] {strides = array<i32>} : memref<208xf32, #tpu.memory_space<vmem>>, vector<16xf32>,
        %max3A_547 = vector.broadcast %reduce_sum3A_229 : f32 to vector<16xf32>
        %max3A_548 = arith.maximumf %max3A_547, %get3A_546 : vector<16xf32>
        %get3A_549 = arith.constant 96 : index
        %get3A_550 = tpu.vector_load %arg22[%get3A_549] {strides = array<i32>} : memref<208xf32, #tpu.memory_space<vmem>>, vector<16xf32>,
        %min3A_551 = vector.broadcast %reduce_sum3A_241 : f32 to vector<16xf32>
        %min3A_552 = arith.minimumf %min3A_551, %get3A_550 : vector<16xf32>
        %get3A_553 = arith.constant 96 : index
        %get3A_554 = tpu.vector_load %arg23[%get3A_553] {strides = array<i32>} : memref<208xf32, #tpu.memory_space<vmem>>, vector<16xf32>,
        %min3A_555 = vector.broadcast %reduce_sum3A_253 : f32 to vector<16xf32>
        %min3A_556 = arith.minimumf %min3A_555, %get3A_554 : vector<16xf32>
        %sub3A_557 = arith.subf %min3A_552, %max3A_544 : vector<16xf32>
        %jit3A_558 = arith.constant 0.000000e+00 : f32
        %max3A_559 = vector.broadcast %jit3A_558 : f32 to vector<16xf32>
        %max3A_560 = arith.maximumf %max3A_559, %sub3A_557 : vector<16xf32>
        %sub3A_561 = arith.subf %min3A_556, %max3A_548 : vector<16xf32>
        %jit3A_562 = arith.constant 0.000000e+00 : f32
        %max3A_563 = vector.broadcast %jit3A_562 : f32 to vector<16xf32>
        %max3A_564 = arith.maximumf %max3A_563, %sub3A_561 : vector<16xf32>
        %mul3A_565 = arith.mulf %max3A_560, %max3A_564 : vector<16xf32>
        %get3A_566 = arith.constant 96 : index
        %get3A_567 = tpu.vector_load %arg24[%get3A_566] {strides = array<i32>} : memref<208xf32, #tpu.memory_space<vmem>>, vector<16xf32>,
        %add3A_568 = vector.broadcast %mul3A_255 : f32 to vector<16xf32>
        %add3A_569 = arith.addf %add3A_568, %get3A_567 : vector<16xf32>
        %sub3A_570 = arith.subf %add3A_569, %mul3A_565 : vector<16xf32>
        %max3A_571 = arith.constant 9.99999997E-7 : f32
        %max3A_572 = vector.broadcast %max3A_571 : f32 to vector<16xf32>
        %max3A_573 = arith.maximumf %sub3A_570, %max3A_572 : vector<16xf32>
        %div3A_574 = arith.divf %mul3A_565, %max3A_573 : vector<16xf32>
        %ge3A_575 = vector.broadcast %reduce_sum3A_12 : f32 to vector<16xf32>
        %ge3A_576 = arith.cmpf oge, %div3A_574, %ge3A_575 : vector<16xf32>
        %add3A_577 = arith.constant 96 : i32
        %add3A_578 = vector.broadcast %add3A_577 : i32 to vector<16xi32>
        %add3A_579 = arith.addi %add3A_578, %iota3A : vector<16xi32>
        %lt3A_580 = vector.broadcast %while3A_77 : i32 to vector<16xi32>
        %lt3A_581 = arith.cmpi slt, %add3A_579, %lt3A_580 : vector<16xi32>
        %and3A_582 = arith.andi %ge3A_576, %lt3A_581 : vector<16xi1>
        %jit3A_583 = arith.constant 1.000000e+00 : f32
        %jit3A_584 = arith.constant 0.000000e+00 : f32
        %broadcast_in_dim3A_585 = vector.broadcast %jit3A_583 : f32 to vector<16xf32>
        %broadcast_in_dim3A_586 = vector.broadcast %jit3A_584 : f32 to vector<16xf32>
        %select_n3A_587 = arith.select %and3A_582, %broadcast_in_dim3A_585, %broadcast_in_dim3A_586 : vector<16xi1>, vector<16xf32>
        %max3A_588 = arith.maximumf %max3A_540, %select_n3A_587 : vector<16xf32>
        %get3A_589 = arith.constant 112 : index
        %get3A_590 = tpu.vector_load %arg20[%get3A_589] {strides = array<i32>} : memref<208xf32, #tpu.memory_space<vmem>>, vector<16xf32>,
        %max3A_591 = vector.broadcast %reduce_sum3A_217 : f32 to vector<16xf32>
        %max3A_592 = arith.maximumf %max3A_591, %get3A_590 : vector<16xf32>
        %get3A_593 = arith.constant 112 : index
        %get3A_594 = tpu.vector_load %arg21[%get3A_593] {strides = array<i32>} : memref<208xf32, #tpu.memory_space<vmem>>, vector<16xf32>,
        %max3A_595 = vector.broadcast %reduce_sum3A_229 : f32 to vector<16xf32>
        %max3A_596 = arith.maximumf %max3A_595, %get3A_594 : vector<16xf32>
        %get3A_597 = arith.constant 112 : index
        %get3A_598 = tpu.vector_load %arg22[%get3A_597] {strides = array<i32>} : memref<208xf32, #tpu.memory_space<vmem>>, vector<16xf32>,
        %min3A_599 = vector.broadcast %reduce_sum3A_241 : f32 to vector<16xf32>
        %min3A_600 = arith.minimumf %min3A_599, %get3A_598 : vector<16xf32>
        %get3A_601 = arith.constant 112 : index
        %get3A_602 = tpu.vector_load %arg23[%get3A_601] {strides = array<i32>} : memref<208xf32, #tpu.memory_space<vmem>>, vector<16xf32>,
        %min3A_603 = vector.broadcast %reduce_sum3A_253 : f32 to vector<16xf32>
        %min3A_604 = arith.minimumf %min3A_603, %get3A_602 : vector<16xf32>
        %sub3A_605 = arith.subf %min3A_600, %max3A_592 : vector<16xf32>
        %jit3A_606 = arith.constant 0.000000e+00 : f32
        %max3A_607 = vector.broadcast %jit3A_606 : f32 to vector<16xf32>
        %max3A_608 = arith.maximumf %max3A_607, %sub3A_605 : vector<16xf32>
        %sub3A_609 = arith.subf %min3A_604, %max3A_596 : vector<16xf32>
        %jit3A_610 = arith.constant 0.000000e+00 : f32
        %max3A_611 = vector.broadcast %jit3A_610 : f32 to vector<16xf32>
        %max3A_612 = arith.maximumf %max3A_611, %sub3A_609 : vector<16xf32>
        %mul3A_613 = arith.mulf %max3A_608, %max3A_612 : vector<16xf32>
        %get3A_614 = arith.constant 112 : index
        %get3A_615 = tpu.vector_load %arg24[%get3A_614] {strides = array<i32>} : memref<208xf32, #tpu.memory_space<vmem>>, vector<16xf32>,
        %add3A_616 = vector.broadcast %mul3A_255 : f32 to vector<16xf32>
        %add3A_617 = arith.addf %add3A_616, %get3A_615 : vector<16xf32>
        %sub3A_618 = arith.subf %add3A_617, %mul3A_613 : vector<16xf32>
        %max3A_619 = arith.constant 9.99999997E-7 : f32
        %max3A_620 = vector.broadcast %max3A_619 : f32 to vector<16xf32>
        %max3A_621 = arith.maximumf %sub3A_618, %max3A_620 : vector<16xf32>
        %div3A_622 = arith.divf %mul3A_613, %max3A_621 : vector<16xf32>
        %ge3A_623 = vector.broadcast %reduce_sum3A_12 : f32 to vector<16xf32>
        %ge3A_624 = arith.cmpf oge, %div3A_622, %ge3A_623 : vector<16xf32>
        %add3A_625 = arith.constant 112 : i32
        %add3A_626 = vector.broadcast %add3A_625 : i32 to vector<16xi32>
        %add3A_627 = arith.addi %add3A_626, %iota3A : vector<16xi32>
        %lt3A_628 = vector.broadcast %while3A_77 : i32 to vector<16xi32>
        %lt3A_629 = arith.cmpi slt, %add3A_627, %lt3A_628 : vector<16xi32>
        %and3A_630 = arith.andi %ge3A_624, %lt3A_629 : vector<16xi1>
        %jit3A_631 = arith.constant 1.000000e+00 : f32
        %jit3A_632 = arith.constant 0.000000e+00 : f32
        %broadcast_in_dim3A_633 = vector.broadcast %jit3A_631 : f32 to vector<16xf32>
        %broadcast_in_dim3A_634 = vector.broadcast %jit3A_632 : f32 to vector<16xf32>
        %select_n3A_635 = arith.select %and3A_630, %broadcast_in_dim3A_633, %broadcast_in_dim3A_634 : vector<16xi1>, vector<16xf32>
        %max3A_636 = arith.maximumf %max3A_588, %select_n3A_635 : vector<16xf32>
        %get3A_637 = arith.constant 128 : index
        %get3A_638 = tpu.vector_load %arg20[%get3A_637] {strides = array<i32>} : memref<208xf32, #tpu.memory_space<vmem>>, vector<16xf32>,
        %max3A_639 = vector.broadcast %reduce_sum3A_217 : f32 to vector<16xf32>
        %max3A_640 = arith.maximumf %max3A_639, %get3A_638 : vector<16xf32>
        %get3A_641 = arith.constant 128 : index
        %get3A_642 = tpu.vector_load %arg21[%get3A_641] {strides = array<i32>} : memref<208xf32, #tpu.memory_space<vmem>>, vector<16xf32>,
        %max3A_643 = vector.broadcast %reduce_sum3A_229 : f32 to vector<16xf32>
        %max3A_644 = arith.maximumf %max3A_643, %get3A_642 : vector<16xf32>
        %get3A_645 = arith.constant 128 : index
        %get3A_646 = tpu.vector_load %arg22[%get3A_645] {strides = array<i32>} : memref<208xf32, #tpu.memory_space<vmem>>, vector<16xf32>,
        %min3A_647 = vector.broadcast %reduce_sum3A_241 : f32 to vector<16xf32>
        %min3A_648 = arith.minimumf %min3A_647, %get3A_646 : vector<16xf32>
        %get3A_649 = arith.constant 128 : index
        %get3A_650 = tpu.vector_load %arg23[%get3A_649] {strides = array<i32>} : memref<208xf32, #tpu.memory_space<vmem>>, vector<16xf32>,
        %min3A_651 = vector.broadcast %reduce_sum3A_253 : f32 to vector<16xf32>
        %min3A_652 = arith.minimumf %min3A_651, %get3A_650 : vector<16xf32>
        %sub3A_653 = arith.subf %min3A_648, %max3A_640 : vector<16xf32>
        %jit3A_654 = arith.constant 0.000000e+00 : f32
        %max3A_655 = vector.broadcast %jit3A_654 : f32 to vector<16xf32>
        %max3A_656 = arith.maximumf %max3A_655, %sub3A_653 : vector<16xf32>
        %sub3A_657 = arith.subf %min3A_652, %max3A_644 : vector<16xf32>
        %jit3A_658 = arith.constant 0.000000e+00 : f32
        %max3A_659 = vector.broadcast %jit3A_658 : f32 to vector<16xf32>
        %max3A_660 = arith.maximumf %max3A_659, %sub3A_657 : vector<16xf32>
        %mul3A_661 = arith.mulf %max3A_656, %max3A_660 : vector<16xf32>
        %get3A_662 = arith.constant 128 : index
        %get3A_663 = tpu.vector_load %arg24[%get3A_662] {strides = array<i32>} : memref<208xf32, #tpu.memory_space<vmem>>, vector<16xf32>,
        %add3A_664 = vector.broadcast %mul3A_255 : f32 to vector<16xf32>
        %add3A_665 = arith.addf %add3A_664, %get3A_663 : vector<16xf32>
        %sub3A_666 = arith.subf %add3A_665, %mul3A_661 : vector<16xf32>
        %max3A_667 = arith.constant 9.99999997E-7 : f32
        %max3A_668 = vector.broadcast %max3A_667 : f32 to vector<16xf32>
        %max3A_669 = arith.maximumf %sub3A_666, %max3A_668 : vector<16xf32>
        %div3A_670 = arith.divf %mul3A_661, %max3A_669 : vector<16xf32>
        %ge3A_671 = vector.broadcast %reduce_sum3A_12 : f32 to vector<16xf32>
        %ge3A_672 = arith.cmpf oge, %div3A_670, %ge3A_671 : vector<16xf32>
        %add3A_673 = arith.constant 128 : i32
        %add3A_674 = vector.broadcast %add3A_673 : i32 to vector<16xi32>
        %add3A_675 = arith.addi %add3A_674, %iota3A : vector<16xi32>
        %lt3A_676 = vector.broadcast %while3A_77 : i32 to vector<16xi32>
        %lt3A_677 = arith.cmpi slt, %add3A_675, %lt3A_676 : vector<16xi32>
        %and3A_678 = arith.andi %ge3A_672, %lt3A_677 : vector<16xi1>
        %jit3A_679 = arith.constant 1.000000e+00 : f32
        %jit3A_680 = arith.constant 0.000000e+00 : f32
        %broadcast_in_dim3A_681 = vector.broadcast %jit3A_679 : f32 to vector<16xf32>
        %broadcast_in_dim3A_682 = vector.broadcast %jit3A_680 : f32 to vector<16xf32>
        %select_n3A_683 = arith.select %and3A_678, %broadcast_in_dim3A_681, %broadcast_in_dim3A_682 : vector<16xi1>, vector<16xf32>
        %max3A_684 = arith.maximumf %max3A_636, %select_n3A_683 : vector<16xf32>
        %get3A_685 = arith.constant 144 : index
        %get3A_686 = tpu.vector_load %arg20[%get3A_685] {strides = array<i32>} : memref<208xf32, #tpu.memory_space<vmem>>, vector<16xf32>,
        %max3A_687 = vector.broadcast %reduce_sum3A_217 : f32 to vector<16xf32>
        %max3A_688 = arith.maximumf %max3A_687, %get3A_686 : vector<16xf32>
        %get3A_689 = arith.constant 144 : index
        %get3A_690 = tpu.vector_load %arg21[%get3A_689] {strides = array<i32>} : memref<208xf32, #tpu.memory_space<vmem>>, vector<16xf32>,
        %max3A_691 = vector.broadcast %reduce_sum3A_229 : f32 to vector<16xf32>
        %max3A_692 = arith.maximumf %max3A_691, %get3A_690 : vector<16xf32>
        %get3A_693 = arith.constant 144 : index
        %get3A_694 = tpu.vector_load %arg22[%get3A_693] {strides = array<i32>} : memref<208xf32, #tpu.memory_space<vmem>>, vector<16xf32>,
        %min3A_695 = vector.broadcast %reduce_sum3A_241 : f32 to vector<16xf32>
        %min3A_696 = arith.minimumf %min3A_695, %get3A_694 : vector<16xf32>
        %get3A_697 = arith.constant 144 : index
        %get3A_698 = tpu.vector_load %arg23[%get3A_697] {strides = array<i32>} : memref<208xf32, #tpu.memory_space<vmem>>, vector<16xf32>,
        %min3A_699 = vector.broadcast %reduce_sum3A_253 : f32 to vector<16xf32>
        %min3A_700 = arith.minimumf %min3A_699, %get3A_698 : vector<16xf32>
        %sub3A_701 = arith.subf %min3A_696, %max3A_688 : vector<16xf32>
        %jit3A_702 = arith.constant 0.000000e+00 : f32
        %max3A_703 = vector.broadcast %jit3A_702 : f32 to vector<16xf32>
        %max3A_704 = arith.maximumf %max3A_703, %sub3A_701 : vector<16xf32>
        %sub3A_705 = arith.subf %min3A_700, %max3A_692 : vector<16xf32>
        %jit3A_706 = arith.constant 0.000000e+00 : f32
        %max3A_707 = vector.broadcast %jit3A_706 : f32 to vector<16xf32>
        %max3A_708 = arith.maximumf %max3A_707, %sub3A_705 : vector<16xf32>
        %mul3A_709 = arith.mulf %max3A_704, %max3A_708 : vector<16xf32>
        %get3A_710 = arith.constant 144 : index
        %get3A_711 = tpu.vector_load %arg24[%get3A_710] {strides = array<i32>} : memref<208xf32, #tpu.memory_space<vmem>>, vector<16xf32>,
        %add3A_712 = vector.broadcast %mul3A_255 : f32 to vector<16xf32>
        %add3A_713 = arith.addf %add3A_712, %get3A_711 : vector<16xf32>
        %sub3A_714 = arith.subf %add3A_713, %mul3A_709 : vector<16xf32>
        %max3A_715 = arith.constant 9.99999997E-7 : f32
        %max3A_716 = vector.broadcast %max3A_715 : f32 to vector<16xf32>
        %max3A_717 = arith.maximumf %sub3A_714, %max3A_716 : vector<16xf32>
        %div3A_718 = arith.divf %mul3A_709, %max3A_717 : vector<16xf32>
        %ge3A_719 = vector.broadcast %reduce_sum3A_12 : f32 to vector<16xf32>
        %ge3A_720 = arith.cmpf oge, %div3A_718, %ge3A_719 : vector<16xf32>
        %add3A_721 = arith.constant 144 : i32
        %add3A_722 = vector.broadcast %add3A_721 : i32 to vector<16xi32>
        %add3A_723 = arith.addi %add3A_722, %iota3A : vector<16xi32>
        %lt3A_724 = vector.broadcast %while3A_77 : i32 to vector<16xi32>
        %lt3A_725 = arith.cmpi slt, %add3A_723, %lt3A_724 : vector<16xi32>
        %and3A_726 = arith.andi %ge3A_720, %lt3A_725 : vector<16xi1>
        %jit3A_727 = arith.constant 1.000000e+00 : f32
        %jit3A_728 = arith.constant 0.000000e+00 : f32
        %broadcast_in_dim3A_729 = vector.broadcast %jit3A_727 : f32 to vector<16xf32>
        %broadcast_in_dim3A_730 = vector.broadcast %jit3A_728 : f32 to vector<16xf32>
        %select_n3A_731 = arith.select %and3A_726, %broadcast_in_dim3A_729, %broadcast_in_dim3A_730 : vector<16xi1>, vector<16xf32>
        %max3A_732 = arith.maximumf %max3A_684, %select_n3A_731 : vector<16xf32>
        %get3A_733 = arith.constant 160 : index
        %get3A_734 = tpu.vector_load %arg20[%get3A_733] {strides = array<i32>} : memref<208xf32, #tpu.memory_space<vmem>>, vector<16xf32>,
        %max3A_735 = vector.broadcast %reduce_sum3A_217 : f32 to vector<16xf32>
        %max3A_736 = arith.maximumf %max3A_735, %get3A_734 : vector<16xf32>
        %get3A_737 = arith.constant 160 : index
        %get3A_738 = tpu.vector_load %arg21[%get3A_737] {strides = array<i32>} : memref<208xf32, #tpu.memory_space<vmem>>, vector<16xf32>,
        %max3A_739 = vector.broadcast %reduce_sum3A_229 : f32 to vector<16xf32>
        %max3A_740 = arith.maximumf %max3A_739, %get3A_738 : vector<16xf32>
        %get3A_741 = arith.constant 160 : index
        %get3A_742 = tpu.vector_load %arg22[%get3A_741] {strides = array<i32>} : memref<208xf32, #tpu.memory_space<vmem>>, vector<16xf32>,
        %min3A_743 = vector.broadcast %reduce_sum3A_241 : f32 to vector<16xf32>
        %min3A_744 = arith.minimumf %min3A_743, %get3A_742 : vector<16xf32>
        %get3A_745 = arith.constant 160 : index
        %get3A_746 = tpu.vector_load %arg23[%get3A_745] {strides = array<i32>} : memref<208xf32, #tpu.memory_space<vmem>>, vector<16xf32>,
        %min3A_747 = vector.broadcast %reduce_sum3A_253 : f32 to vector<16xf32>
        %min3A_748 = arith.minimumf %min3A_747, %get3A_746 : vector<16xf32>
        %sub3A_749 = arith.subf %min3A_744, %max3A_736 : vector<16xf32>
        %jit3A_750 = arith.constant 0.000000e+00 : f32
        %max3A_751 = vector.broadcast %jit3A_750 : f32 to vector<16xf32>
        %max3A_752 = arith.maximumf %max3A_751, %sub3A_749 : vector<16xf32>
        %sub3A_753 = arith.subf %min3A_748, %max3A_740 : vector<16xf32>
        %jit3A_754 = arith.constant 0.000000e+00 : f32
        %max3A_755 = vector.broadcast %jit3A_754 : f32 to vector<16xf32>
        %max3A_756 = arith.maximumf %max3A_755, %sub3A_753 : vector<16xf32>
        %mul3A_757 = arith.mulf %max3A_752, %max3A_756 : vector<16xf32>
        %get3A_758 = arith.constant 160 : index
        %get3A_759 = tpu.vector_load %arg24[%get3A_758] {strides = array<i32>} : memref<208xf32, #tpu.memory_space<vmem>>, vector<16xf32>,
        %add3A_760 = vector.broadcast %mul3A_255 : f32 to vector<16xf32>
        %add3A_761 = arith.addf %add3A_760, %get3A_759 : vector<16xf32>
        %sub3A_762 = arith.subf %add3A_761, %mul3A_757 : vector<16xf32>
        %max3A_763 = arith.constant 9.99999997E-7 : f32
        %max3A_764 = vector.broadcast %max3A_763 : f32 to vector<16xf32>
        %max3A_765 = arith.maximumf %sub3A_762, %max3A_764 : vector<16xf32>
        %div3A_766 = arith.divf %mul3A_757, %max3A_765 : vector<16xf32>
        %ge3A_767 = vector.broadcast %reduce_sum3A_12 : f32 to vector<16xf32>
        %ge3A_768 = arith.cmpf oge, %div3A_766, %ge3A_767 : vector<16xf32>
        %add3A_769 = arith.constant 160 : i32
        %add3A_770 = vector.broadcast %add3A_769 : i32 to vector<16xi32>
        %add3A_771 = arith.addi %add3A_770, %iota3A : vector<16xi32>
        %lt3A_772 = vector.broadcast %while3A_77 : i32 to vector<16xi32>
        %lt3A_773 = arith.cmpi slt, %add3A_771, %lt3A_772 : vector<16xi32>
        %and3A_774 = arith.andi %ge3A_768, %lt3A_773 : vector<16xi1>
        %jit3A_775 = arith.constant 1.000000e+00 : f32
        %jit3A_776 = arith.constant 0.000000e+00 : f32
        %broadcast_in_dim3A_777 = vector.broadcast %jit3A_775 : f32 to vector<16xf32>
        %broadcast_in_dim3A_778 = vector.broadcast %jit3A_776 : f32 to vector<16xf32>
        %select_n3A_779 = arith.select %and3A_774, %broadcast_in_dim3A_777, %broadcast_in_dim3A_778 : vector<16xi1>, vector<16xf32>
        %max3A_780 = arith.maximumf %max3A_732, %select_n3A_779 : vector<16xf32>
        %get3A_781 = arith.constant 176 : index
        %get3A_782 = tpu.vector_load %arg20[%get3A_781] {strides = array<i32>} : memref<208xf32, #tpu.memory_space<vmem>>, vector<16xf32>,
        %max3A_783 = vector.broadcast %reduce_sum3A_217 : f32 to vector<16xf32>
        %max3A_784 = arith.maximumf %max3A_783, %get3A_782 : vector<16xf32>
        %get3A_785 = arith.constant 176 : index
        %get3A_786 = tpu.vector_load %arg21[%get3A_785] {strides = array<i32>} : memref<208xf32, #tpu.memory_space<vmem>>, vector<16xf32>,
        %max3A_787 = vector.broadcast %reduce_sum3A_229 : f32 to vector<16xf32>
        %max3A_788 = arith.maximumf %max3A_787, %get3A_786 : vector<16xf32>
        %get3A_789 = arith.constant 176 : index
        %get3A_790 = tpu.vector_load %arg22[%get3A_789] {strides = array<i32>} : memref<208xf32, #tpu.memory_space<vmem>>, vector<16xf32>,
        %min3A_791 = vector.broadcast %reduce_sum3A_241 : f32 to vector<16xf32>
        %min3A_792 = arith.minimumf %min3A_791, %get3A_790 : vector<16xf32>
        %get3A_793 = arith.constant 176 : index
        %get3A_794 = tpu.vector_load %arg23[%get3A_793] {strides = array<i32>} : memref<208xf32, #tpu.memory_space<vmem>>, vector<16xf32>,
        %min3A_795 = vector.broadcast %reduce_sum3A_253 : f32 to vector<16xf32>
        %min3A_796 = arith.minimumf %min3A_795, %get3A_794 : vector<16xf32>
        %sub3A_797 = arith.subf %min3A_792, %max3A_784 : vector<16xf32>
        %jit3A_798 = arith.constant 0.000000e+00 : f32
        %max3A_799 = vector.broadcast %jit3A_798 : f32 to vector<16xf32>
        %max3A_800 = arith.maximumf %max3A_799, %sub3A_797 : vector<16xf32>
        %sub3A_801 = arith.subf %min3A_796, %max3A_788 : vector<16xf32>
        %jit3A_802 = arith.constant 0.000000e+00 : f32
        %max3A_803 = vector.broadcast %jit3A_802 : f32 to vector<16xf32>
        %max3A_804 = arith.maximumf %max3A_803, %sub3A_801 : vector<16xf32>
        %mul3A_805 = arith.mulf %max3A_800, %max3A_804 : vector<16xf32>
        %get3A_806 = arith.constant 176 : index
        %get3A_807 = tpu.vector_load %arg24[%get3A_806] {strides = array<i32>} : memref<208xf32, #tpu.memory_space<vmem>>, vector<16xf32>,
        %add3A_808 = vector.broadcast %mul3A_255 : f32 to vector<16xf32>
        %add3A_809 = arith.addf %add3A_808, %get3A_807 : vector<16xf32>
        %sub3A_810 = arith.subf %add3A_809, %mul3A_805 : vector<16xf32>
        %max3A_811 = arith.constant 9.99999997E-7 : f32
        %max3A_812 = vector.broadcast %max3A_811 : f32 to vector<16xf32>
        %max3A_813 = arith.maximumf %sub3A_810, %max3A_812 : vector<16xf32>
        %div3A_814 = arith.divf %mul3A_805, %max3A_813 : vector<16xf32>
        %ge3A_815 = vector.broadcast %reduce_sum3A_12 : f32 to vector<16xf32>
        %ge3A_816 = arith.cmpf oge, %div3A_814, %ge3A_815 : vector<16xf32>
        %add3A_817 = arith.constant 176 : i32
        %add3A_818 = vector.broadcast %add3A_817 : i32 to vector<16xi32>
        %add3A_819 = arith.addi %add3A_818, %iota3A : vector<16xi32>
        %lt3A_820 = vector.broadcast %while3A_77 : i32 to vector<16xi32>
        %lt3A_821 = arith.cmpi slt, %add3A_819, %lt3A_820 : vector<16xi32>
        %and3A_822 = arith.andi %ge3A_816, %lt3A_821 : vector<16xi1>
        %jit3A_823 = arith.constant 1.000000e+00 : f32
        %jit3A_824 = arith.constant 0.000000e+00 : f32
        %broadcast_in_dim3A_825 = vector.broadcast %jit3A_823 : f32 to vector<16xf32>
        %broadcast_in_dim3A_826 = vector.broadcast %jit3A_824 : f32 to vector<16xf32>
        %select_n3A_827 = arith.select %and3A_822, %broadcast_in_dim3A_825, %broadcast_in_dim3A_826 : vector<16xi1>, vector<16xf32>
        %max3A_828 = arith.maximumf %max3A_780, %select_n3A_827 : vector<16xf32>
        %get3A_829 = arith.constant 192 : index
        %get3A_830 = tpu.vector_load %arg20[%get3A_829] {strides = array<i32>} : memref<208xf32, #tpu.memory_space<vmem>>, vector<16xf32>,
        %max3A_831 = vector.broadcast %reduce_sum3A_217 : f32 to vector<16xf32>
        %max3A_832 = arith.maximumf %max3A_831, %get3A_830 : vector<16xf32>
        %get3A_833 = arith.constant 192 : index
        %get3A_834 = tpu.vector_load %arg21[%get3A_833] {strides = array<i32>} : memref<208xf32, #tpu.memory_space<vmem>>, vector<16xf32>,
        %max3A_835 = vector.broadcast %reduce_sum3A_229 : f32 to vector<16xf32>
        %max3A_836 = arith.maximumf %max3A_835, %get3A_834 : vector<16xf32>
        %get3A_837 = arith.constant 192 : index
        %get3A_838 = tpu.vector_load %arg22[%get3A_837] {strides = array<i32>} : memref<208xf32, #tpu.memory_space<vmem>>, vector<16xf32>,
        %min3A_839 = vector.broadcast %reduce_sum3A_241 : f32 to vector<16xf32>
        %min3A_840 = arith.minimumf %min3A_839, %get3A_838 : vector<16xf32>
        %get3A_841 = arith.constant 192 : index
        %get3A_842 = tpu.vector_load %arg23[%get3A_841] {strides = array<i32>} : memref<208xf32, #tpu.memory_space<vmem>>, vector<16xf32>,
        %min3A_843 = vector.broadcast %reduce_sum3A_253 : f32 to vector<16xf32>
        %min3A_844 = arith.minimumf %min3A_843, %get3A_842 : vector<16xf32>
        %sub3A_845 = arith.subf %min3A_840, %max3A_832 : vector<16xf32>
        %jit3A_846 = arith.constant 0.000000e+00 : f32
        %max3A_847 = vector.broadcast %jit3A_846 : f32 to vector<16xf32>
        %max3A_848 = arith.maximumf %max3A_847, %sub3A_845 : vector<16xf32>
        %sub3A_849 = arith.subf %min3A_844, %max3A_836 : vector<16xf32>
        %jit3A_850 = arith.constant 0.000000e+00 : f32
        %max3A_851 = vector.broadcast %jit3A_850 : f32 to vector<16xf32>
        %max3A_852 = arith.maximumf %max3A_851, %sub3A_849 : vector<16xf32>
        %mul3A_853 = arith.mulf %max3A_848, %max3A_852 : vector<16xf32>
        %get3A_854 = arith.constant 192 : index
        %get3A_855 = tpu.vector_load %arg24[%get3A_854] {strides = array<i32>} : memref<208xf32, #tpu.memory_space<vmem>>, vector<16xf32>,
        %add3A_856 = vector.broadcast %mul3A_255 : f32 to vector<16xf32>
        %add3A_857 = arith.addf %add3A_856, %get3A_855 : vector<16xf32>
        %sub3A_858 = arith.subf %add3A_857, %mul3A_853 : vector<16xf32>
        %max3A_859 = arith.constant 9.99999997E-7 : f32
        %max3A_860 = vector.broadcast %max3A_859 : f32 to vector<16xf32>
        %max3A_861 = arith.maximumf %sub3A_858, %max3A_860 : vector<16xf32>
        %div3A_862 = arith.divf %mul3A_853, %max3A_861 : vector<16xf32>
        %ge3A_863 = vector.broadcast %reduce_sum3A_12 : f32 to vector<16xf32>
        %ge3A_864 = arith.cmpf oge, %div3A_862, %ge3A_863 : vector<16xf32>
        %add3A_865 = arith.constant 192 : i32
        %add3A_866 = vector.broadcast %add3A_865 : i32 to vector<16xi32>
        %add3A_867 = arith.addi %add3A_866, %iota3A : vector<16xi32>
        %lt3A_868 = vector.broadcast %while3A_77 : i32 to vector<16xi32>
        %lt3A_869 = arith.cmpi slt, %add3A_867, %lt3A_868 : vector<16xi32>
        %and3A_870 = arith.andi %ge3A_864, %lt3A_869 : vector<16xi1>
        %jit3A_871 = arith.constant 1.000000e+00 : f32
        %jit3A_872 = arith.constant 0.000000e+00 : f32
        %broadcast_in_dim3A_873 = vector.broadcast %jit3A_871 : f32 to vector<16xf32>
        %broadcast_in_dim3A_874 = vector.broadcast %jit3A_872 : f32 to vector<16xf32>
        %select_n3A_875 = arith.select %and3A_870, %broadcast_in_dim3A_873, %broadcast_in_dim3A_874 : vector<16xi1>, vector<16xf32>
        %max3A_876 = arith.maximumf %max3A_828, %select_n3A_875 : vector<16xf32>
        %reduce_max3A_877 = arith.constant true
        %reduce_max3A_878 = vector.broadcast %reduce_max3A_877 : i1 to vector<16xi1>
        %reduce_max3A_879 = tpu.scan <max>, %max3A_876 masked %reduce_max3A_878 : vector<16xf32>, vector<16xi1> -> vector<16xf32>
        %reduce_max3A_880 = vector.extract %reduce_max3A_879[15] : f32 from vector<16xf32>
        %eq3A_881 = arith.constant 0.000000e+00 : f32
        %eq3A_882 = arith.cmpf oeq, %reduce_max3A_880, %eq3A_881 : f32
        %and3A_883 = arith.andi %gt3A_130, %eq3A_882 : i1
        %lt3A_884 = arith.constant 200 : i32
        %lt3A_885 = arith.cmpi slt, %while3A_77, %lt3A_884 : i32
        %and3A_886 = arith.andi %and3A_883, %lt3A_885 : i1
        %convert_element_type3A_887 = arith.extui %and3A_886 : i1 to i32
        %cond3A_888 = arith.constant 0 : i32
        %cond3A_889 = arith.cmpi ne, %convert_element_type3A_887, %cond3A_888 : i32
        scf.if %cond3A_889 {
          %jit3A_897 = arith.constant 16 : i32
          %div3A_898 = arith.divsi %while3A_77, %jit3A_897 : i32
          %sign3A = arith.constant 0 : i32
          %sign3A_899 = arith.cmpi sgt, %while3A_77, %sign3A : i32
          %sign3A_900 = arith.extui %sign3A_899 : i1 to i32
          %sign3A_901 = arith.constant 0 : i32
          %sign3A_902 = arith.cmpi slt, %while3A_77, %sign3A_901 : i32
          %sign3A_903 = arith.extui %sign3A_902 : i1 to i32
          %sign3A_904 = arith.subi %sign3A_900, %sign3A_903 : i32
          %sign3A_905 = arith.constant 0 : i32
          %sign3A_906 = arith.cmpi sgt, %jit3A_897, %sign3A_905 : i32
          %sign3A_907 = arith.extui %sign3A_906 : i1 to i32
          %sign3A_908 = arith.constant 0 : i32
          %sign3A_909 = arith.cmpi slt, %jit3A_897, %sign3A_908 : i32
          %sign3A_910 = arith.extui %sign3A_909 : i1 to i32
          %sign3A_911 = arith.subi %sign3A_907, %sign3A_910 : i32
          %ne3A = arith.cmpi ne, %sign3A_904, %sign3A_911 : i32
          %rem3A = arith.remsi %while3A_77, %jit3A_897 : i32
          %ne3A_912 = arith.constant 0 : i32
          %ne3A_913 = arith.cmpi ne, %rem3A, %ne3A_912 : i32
          %and3A_914 = arith.andi %ne3A, %ne3A_913 : i1
          %sub3A_915 = arith.constant 1 : i32
          %sub3A_916 = arith.subi %div3A_898, %sub3A_915 : i32
          %select_n3A_917 = arith.select %and3A_914, %sub3A_916, %div3A_898 : i32
          %mul3A_918 = arith.constant 16 : i32
          %mul3A_919 = arith.muli %select_n3A_917, %mul3A_918 : i32
          %multiple_of3A_920 = tpu.assume_multiple %mul3A_919, 8 : i32
          %jit3A_921 = arith.constant 16 : i32
          %div3A_922 = arith.divsi %while3A_77, %jit3A_921 : i32
          %sign3A_923 = arith.constant 0 : i32
          %sign3A_924 = arith.cmpi sgt, %while3A_77, %sign3A_923 : i32
          %sign3A_925 = arith.extui %sign3A_924 : i1 to i32
          %sign3A_926 = arith.constant 0 : i32
          %sign3A_927 = arith.cmpi slt, %while3A_77, %sign3A_926 : i32
          %sign3A_928 = arith.extui %sign3A_927 : i1 to i32
          %sign3A_929 = arith.subi %sign3A_925, %sign3A_928 : i32
          %sign3A_930 = arith.constant 0 : i32
          %sign3A_931 = arith.cmpi sgt, %jit3A_921, %sign3A_930 : i32
          %sign3A_932 = arith.extui %sign3A_931 : i1 to i32
          %sign3A_933 = arith.constant 0 : i32
          %sign3A_934 = arith.cmpi slt, %jit3A_921, %sign3A_933 : i32
          %sign3A_935 = arith.extui %sign3A_934 : i1 to i32
          %sign3A_936 = arith.subi %sign3A_932, %sign3A_935 : i32
          %ne3A_937 = arith.cmpi ne, %sign3A_929, %sign3A_936 : i32
          %rem3A_938 = arith.remsi %while3A_77, %jit3A_921 : i32
          %ne3A_939 = arith.constant 0 : i32
          %ne3A_940 = arith.cmpi ne, %rem3A_938, %ne3A_939 : i32
          %and3A_941 = arith.andi %ne3A_937, %ne3A_940 : i1
          %sub3A_942 = arith.constant 1 : i32
          %sub3A_943 = arith.subi %div3A_922, %sub3A_942 : i32
          %select_n3A_944 = arith.select %and3A_941, %sub3A_943, %div3A_922 : i32
          %mul3A_945 = arith.constant 16 : i32
          %mul3A_946 = arith.muli %select_n3A_944, %mul3A_945 : i32
          %sub3A_947 = arith.subi %while3A_77, %mul3A_946 : i32
          %eq3A_948 = vector.broadcast %sub3A_947 : i32 to vector<16xi32>
          %eq3A_949 = arith.cmpi eq, %iota3A, %eq3A_948 : vector<16xi32>
          %get3A_950 = arith.index_cast %multiple_of3A_920 : i32 to index
          %get3A_951 = tpu.vector_load %arg18[%get3A_950] {strides = array<i32>} : memref<256xi32, #tpu.memory_space<vmem>>, vector<16xi32>,
          %broadcast_in_dim3A_952 = vector.broadcast %add3A_205 : i32 to vector<16xi32>
          %select_n3A_953 = arith.select %eq3A_949, %broadcast_in_dim3A_952, %get3A_951 : vector<16xi1>, vector<16xi32>
          %swap3A_954 = arith.index_cast %multiple_of3A_920 : i32 to index
          %swap3A_955 = tpu.vector_load %arg18[%swap3A_954] {strides = array<i32>} : memref<256xi32, #tpu.memory_space<vmem>>, vector<16xi32>,
          tpu.vector_store %arg18[%swap3A_954], %select_n3A_953 {strides = array<i32>} : memref<256xi32, #tpu.memory_space<vmem>>, vector<16xi32>,
          %get3A_956 = arith.index_cast %multiple_of3A_920 : i32 to index
          %get3A_957 = tpu.vector_load %arg20[%get3A_956] {strides = array<i32>} : memref<208xf32, #tpu.memory_space<vmem>>, vector<16xf32>,
          %broadcast_in_dim3A_958 = vector.broadcast %reduce_sum3A_217 : f32 to vector<16xf32>
          %select_n3A_959 = arith.select %eq3A_949, %broadcast_in_dim3A_958, %get3A_957 : vector<16xi1>, vector<16xf32>
          %swap3A_960 = arith.index_cast %multiple_of3A_920 : i32 to index
          %swap3A_961 = tpu.vector_load %arg20[%swap3A_960] {strides = array<i32>} : memref<208xf32, #tpu.memory_space<vmem>>, vector<16xf32>,
          tpu.vector_store %arg20[%swap3A_960], %select_n3A_959 {strides = array<i32>} : memref<208xf32, #tpu.memory_space<vmem>>, vector<16xf32>,
          %get3A_962 = arith.index_cast %multiple_of3A_920 : i32 to index
          %get3A_963 = tpu.vector_load %arg21[%get3A_962] {strides = array<i32>} : memref<208xf32, #tpu.memory_space<vmem>>, vector<16xf32>,
          %broadcast_in_dim3A_964 = vector.broadcast %reduce_sum3A_229 : f32 to vector<16xf32>
          %select_n3A_965 = arith.select %eq3A_949, %broadcast_in_dim3A_964, %get3A_963 : vector<16xi1>, vector<16xf32>
          %swap3A_966 = arith.index_cast %multiple_of3A_920 : i32 to index
          %swap3A_967 = tpu.vector_load %arg21[%swap3A_966] {strides = array<i32>} : memref<208xf32, #tpu.memory_space<vmem>>, vector<16xf32>,
          tpu.vector_store %arg21[%swap3A_966], %select_n3A_965 {strides = array<i32>} : memref<208xf32, #tpu.memory_space<vmem>>, vector<16xf32>,
          %get3A_968 = arith.index_cast %multiple_of3A_920 : i32 to index
          %get3A_969 = tpu.vector_load %arg22[%get3A_968] {strides = array<i32>} : memref<208xf32, #tpu.memory_space<vmem>>, vector<16xf32>,
          %broadcast_in_dim3A_970 = vector.broadcast %reduce_sum3A_241 : f32 to vector<16xf32>
          %select_n3A_971 = arith.select %eq3A_949, %broadcast_in_dim3A_970, %get3A_969 : vector<16xi1>, vector<16xf32>
          %swap3A_972 = arith.index_cast %multiple_of3A_920 : i32 to index
          %swap3A_973 = tpu.vector_load %arg22[%swap3A_972] {strides = array<i32>} : memref<208xf32, #tpu.memory_space<vmem>>, vector<16xf32>,
          tpu.vector_store %arg22[%swap3A_972], %select_n3A_971 {strides = array<i32>} : memref<208xf32, #tpu.memory_space<vmem>>, vector<16xf32>,
          %get3A_974 = arith.index_cast %multiple_of3A_920 : i32 to index
          %get3A_975 = tpu.vector_load %arg23[%get3A_974] {strides = array<i32>} : memref<208xf32, #tpu.memory_space<vmem>>, vector<16xf32>,
          %broadcast_in_dim3A_976 = vector.broadcast %reduce_sum3A_253 : f32 to vector<16xf32>
          %select_n3A_977 = arith.select %eq3A_949, %broadcast_in_dim3A_976, %get3A_975 : vector<16xi1>, vector<16xf32>
          %swap3A_978 = arith.index_cast %multiple_of3A_920 : i32 to index
          %swap3A_979 = tpu.vector_load %arg23[%swap3A_978] {strides = array<i32>} : memref<208xf32, #tpu.memory_space<vmem>>, vector<16xf32>,
          tpu.vector_store %arg23[%swap3A_978], %select_n3A_977 {strides = array<i32>} : memref<208xf32, #tpu.memory_space<vmem>>, vector<16xf32>,
          %get3A_980 = arith.index_cast %multiple_of3A_920 : i32 to index
          %get3A_981 = tpu.vector_load %arg24[%get3A_980] {strides = array<i32>} : memref<208xf32, #tpu.memory_space<vmem>>, vector<16xf32>,
          %broadcast_in_dim3A_982 = vector.broadcast %mul3A_255 : f32 to vector<16xf32>
          %select_n3A_983 = arith.select %eq3A_949, %broadcast_in_dim3A_982, %get3A_981 : vector<16xi1>, vector<16xf32>
          %swap3A_984 = arith.index_cast %multiple_of3A_920 : i32 to index
          %swap3A_985 = tpu.vector_load %arg24[%swap3A_984] {strides = array<i32>} : memref<208xf32, #tpu.memory_space<vmem>>, vector<16xf32>,
          tpu.vector_store %arg24[%swap3A_984], %select_n3A_983 {strides = array<i32>} : memref<208xf32, #tpu.memory_space<vmem>>, vector<16xf32>,
        } else {
        }
        %convert_element_type3A_890 = arith.extui %gt3A_130 : i1 to i32
        %cond3A_891 = arith.constant 0 : i32
        %cond3A_892 = arith.cmpi ne, %convert_element_type3A_890, %cond3A_891 : i32
        scf.if %cond3A_892 {
          %eq3A_897 = vector.broadcast %reduce_min3A_202 : i32 to vector<16xi32>
          %eq3A_898 = arith.cmpi eq, %iota3A, %eq3A_897 : vector<16xi32>
          %jit3A_899 = arith.constant 0xFF800000 : f32
          %broadcast_in_dim3A_900 = vector.broadcast %jit3A_899 : f32 to vector<16xf32>
          %select_n3A_901 = arith.select %eq3A_898, %broadcast_in_dim3A_900, %get3A_184 : vector<16xi1>, vector<16xf32>
          %swap3A_902 = arith.index_cast %multiple_of3A_182 : i32 to index
          %swap3A_903 = tpu.vector_load %arg14[%swap3A_902] {strides = array<i32>} : memref<20480xf32, #tpu.memory_space<vmem>>, vector<16xf32>,
          tpu.vector_store %arg14[%swap3A_902], %select_n3A_901 {strides = array<i32>} : memref<20480xf32, #tpu.memory_space<vmem>>, vector<16xf32>,
          %reduce_max3A_904 = arith.constant true
          %reduce_max3A_905 = vector.broadcast %reduce_max3A_904 : i1 to vector<16xi1>
          %reduce_max3A_906 = tpu.scan <max>, %select_n3A_901 masked %reduce_max3A_905 : vector<16xf32>, vector<16xi1> -> vector<16xf32>
          %reduce_max3A_907 = vector.extract %reduce_max3A_906[15] : f32 from vector<16xf32>
          %eq3A_908 = vector.broadcast %reduce_min3A_176 : i32 to vector<16xi32>
          %eq3A_909 = arith.cmpi eq, %iota3A, %eq3A_908 : vector<16xi32>
          %broadcast_in_dim3A_910 = vector.broadcast %reduce_max3A_907 : f32 to vector<16xf32>
          %select_n3A_911 = arith.select %eq3A_909, %broadcast_in_dim3A_910, %get3A_158 : vector<16xi1>, vector<16xf32>
          %swap3A_912 = arith.index_cast %multiple_of3A_156 : i32 to index
          %swap3A_913 = tpu.vector_load %arg15[%swap3A_912] {strides = array<i32>} : memref<1280xf32, #tpu.memory_space<vmem>>, vector<16xf32>,
          tpu.vector_store %arg15[%swap3A_912], %select_n3A_911 {strides = array<i32>} : memref<1280xf32, #tpu.memory_space<vmem>>, vector<16xf32>,
          %reduce_max3A_914 = arith.constant true
          %reduce_max3A_915 = vector.broadcast %reduce_max3A_914 : i1 to vector<16xi1>
          %reduce_max3A_916 = tpu.scan <max>, %select_n3A_911 masked %reduce_max3A_915 : vector<16xf32>, vector<16xi1> -> vector<16xf32>
          %reduce_max3A_917 = vector.extract %reduce_max3A_916[15] : f32 from vector<16xf32>
          %eq3A_918 = vector.broadcast %reduce_min3A_150 : i32 to vector<16xi32>
          %eq3A_919 = arith.cmpi eq, %iota3A, %eq3A_918 : vector<16xi32>
          %broadcast_in_dim3A_920 = vector.broadcast %reduce_max3A_917 : f32 to vector<16xf32>
          %select_n3A_921 = arith.select %eq3A_919, %broadcast_in_dim3A_920, %get3A_134 : vector<16xi1>, vector<16xf32>
          %swap3A_922 = arith.index_cast %multiple_of3A : i32 to index
          %swap3A_923 = tpu.vector_load %arg16[%swap3A_922] {strides = array<i32>} : memref<80xf32, #tpu.memory_space<vmem>>, vector<16xf32>,
          tpu.vector_store %arg16[%swap3A_922], %select_n3A_921 {strides = array<i32>} : memref<80xf32, #tpu.memory_space<vmem>>, vector<16xf32>,
        } else {
        }
        %convert_element_type3A_893 = arith.extui %and3A_886 : i1 to i32
        %add3A_894 = arith.addi %while3A_77, %convert_element_type3A_893 : i32
        %not3A_895 = arith.constant true
        %not3A_896 = arith.xori %gt3A_130, %not3A_895 : i1
        scf.yield %add3A_894, %not3A_896 : i32, i1
      }
      %eq3A_70 = arith.constant 0 : i32
      %eq3A_71 = vector.broadcast %eq3A_70 : i32 to vector<16xi32>
      %eq3A_72 = arith.cmpi eq, %iota3A, %eq3A_71 : vector<16xi32>
      %jit3A = arith.constant 0 : i32
      %broadcast_in_dim3A_73 = vector.broadcast %while3A_69#0 : i32 to vector<16xi32>
      %broadcast_in_dim3A_74 = vector.broadcast %jit3A : i32 to vector<16xi32>
      %select_n3A = arith.select %eq3A_72, %broadcast_in_dim3A_73, %broadcast_in_dim3A_74 : vector<16xi1>, vector<16xi32>
      %swap3A_75 = arith.constant 0 : index
      %swap3A_76 = tpu.vector_load %arg19[%swap3A_75] {strides = array<i32>} : memref<16xi32, #tpu.memory_space<vmem>>, vector<16xi32>,
      tpu.vector_store %arg19[%swap3A_75], %select_n3A {strides = array<i32>} : memref<16xi32, #tpu.memory_space<vmem>>, vector<16xi32>,
      "tpu.region"() ({
        %run_scoped3A = tpu.sem_alloc : memref<!tpu.dma_semaphore, #tpu.memory_space<semaphore_mem>>
        tpu.enqueue_dma source(%arg18 : memref<256xi32, #tpu.memory_space<vmem>>) target(%arg8 : memref<256xi32, #tpu.memory_space<hbm>>) target_semaphore(%run_scoped3A : memref<!tpu.dma_semaphore, #tpu.memory_space<semaphore_mem>>)
        tpu.wait_dma2 semaphore(%run_scoped3A : memref<!tpu.dma_semaphore, #tpu.memory_space<semaphore_mem>>) src(%arg18 : memref<256xi32, #tpu.memory_space<vmem>>) dst(%arg8 : memref<256xi32, #tpu.memory_space<hbm>>)
        tpu.yield
      }) : () -> ()
      "tpu.region"() ({
        %run_scoped3A = tpu.sem_alloc : memref<!tpu.dma_semaphore, #tpu.memory_space<semaphore_mem>>
        tpu.enqueue_dma source(%arg19 : memref<16xi32, #tpu.memory_space<vmem>>) target(%arg9 : memref<16xi32, #tpu.memory_space<hbm>>) target_semaphore(%run_scoped3A : memref<!tpu.dma_semaphore, #tpu.memory_space<semaphore_mem>>)
        tpu.wait_dma2 semaphore(%run_scoped3A : memref<!tpu.dma_semaphore, #tpu.memory_space<semaphore_mem>>) src(%arg19 : memref<16xi32, #tpu.memory_space<vmem>>) dst(%arg9 : memref<16xi32, #tpu.memory_space<hbm>>)
        tpu.yield
      }) : () -> ()
    } else {
    }
    return
  }
}

</mosaic_0001>

<sc_bundles>
// kernel: kernel.3.cloned.1.call-start
scs
__scs_entry_jumppad:
0x0: {  	(pc) =	sbr.rel $0x88, $3  }
0x1: {  	(tag) =	ssettag $0x0;
	lr =	simm.s32 $0x1  }
0x2: {  	[smem:$0x3F9C] =	sst lr;
	_ =	strace $0xD0000000  }
0x3: {  	_ = 	snop  }
0x4: {  	_ = 	snop  }
0x5: {  	_ = 	snop  }
0x6: {  	_ = 	snop  }
0x7: {  	_ = 	snop  }
__scs_overlays_trampoline_lowered:
0x8: {  	[smem:$0x3FAB] =	sst s0  }
0x9: {  	[smem:$0x3FAC] =	sst s1  }
0xa: {  	[smem:$0x3FAD] =	sst s2  }
0xb: {  	[smem:$0x3FAE] =	sst s3  }
0xc: {  	[smem:$0x3FAF] =	sst s4  }
0xd: {  	[smem:$0x3FB0] =	sst s5  }
0xe: {  	[smem:$0x3FB1] =	sst s6  }
0xf: {  	[smem:$0x3FB2] =	sst s7  }
0x10: {  	[smem:$0x3FB3] =	sst s8  }
0x11: {  	[smem:$0x3FB4] =	sst s9;
	s0 =	simm.s32 @!p0 $0x0  }
0x12: {  	s1 =	sld [smem:$0x3F9A];
	s0 =	simm.s32 @p0 $0x1  }
0x13: {  	[smem:$0x3FB5] =	sst s0;
	s0 =	simm.s32 @!p1 $0x0  }
0x14: {  	s2 =	sld [smem:$0x3F99];
	s0 =	simm.s32 @p1 $0x1  }
0x15: {  	[smem:$0x3FB6] =	sst s0;
	s0 =	simm.s32 @!p2 $0x0  }
0x16: {  	s3 =	sld [smem:$0x3FDB];
	s0 =	simm.s32 @p2 $0x1  }
0x17: {  	s4 =	simm.s32 $0x1BF5;
	[smem:$0x3FB8] =	sst s0  }
0x18: {  	s0 =	sld [smem:$0x3F9B];
	_ =	swait.ge [sflag:s4], $0x0  }
0x19: {  	s7 =	sld [smem:$0x3F9C]  }
0x1a: {  	s8 =	sadd.s32 $0xFFFFE003, lr  }
0x1b: {  	s9 =	sadd.s32 $0xFFFFFEF7, lr;
	s5 =	simm.s32 $0xFFFFFFFF;
	p2 =	slt.u32 s8, $0xFFFFF086  }
0x1c: {  	p1 =	slt.u32 s9, $0xF7A;
	s5 =	simm.s32 @!p2 $0x0  }
0x1d: {  	s5 =	simm.s32 @p1 $0x1;
	p0 =	seq.s32 s7, s2  }
0x1e: {  	s7 =	smul.u32 @!p0 $0xF7A, s2;
	p2 =	seq.s32 @!p0 s5, $0x0  }
0x1f: {  	s9 =	smul.u32 $0xF7A, s1;
	s8 =	simm.s32 @!p0 $0x1BF5;
	p2 =	por !p2, p0  }
0x20: {  	[sflag:s8] =	ssyncset.s32 @!p0 $0xFFFFF086;
	s6 =	sadd.s32 @!p0 s3, s7;
	s7 =	simm.s32 @!p0 $0x108  }
0x21: {  	s3 =	sadd.s32 s3, s9;
	s6 =	sadd.s32 @!p0 $0x88, s6;
	s7 =	simm.s32 @p2 $0x1082  }
0x22: {  	[simem:s7], [sflag:s8] =	dma.local @!p0 [hbm:s6], $0xF7A  }
0x23: {  	s9 =	sor.u32 $0xD0000000, s2;
	s6 =	simm.s32 $0x108;
	_ =	swait.ge @!p0 [sflag:s8], $0x0  }
0x24: {  	s3 =	sadd.s32 $0x88, s3;
	s6 =	simm.s32 @!p1 $0x1082;
	[sflag:s4] =	ssyncset.s32 $0xFFFFF086  }
0x25: {  	[simem:s6], [sflag:s4] =	dma.local [hbm:s3], $0xF7A  }
0x26: {  	[smem:$0x3F9C] =	sst s1;
	(tag) =	ssettag s2;
	_ =	strace s9  }
0x27: {  	s1 =	sld [smem:$0x3FAC]  }
0x28: {  	s2 =	sld [smem:$0x3FAD]  }
0x29: {  	s4 =	sld [smem:$0x3FAF]  }
0x2a: {  	p0 =	seq.s32 s5, $0x0;
	s5 =	sld [smem:$0x3FB0]  }
0x2b: {  	s6 =	sld [smem:$0x3FB1]  }
0x2c: {  	s7 =	sld [smem:$0x3FB2]  }
0x2d: {  	s3 =	simm.s32 $0x108;
	s8 =	sld [smem:$0x3FB3]  }
0x2e: {  	s3 =	simm.s32 @!p0 $0x1082;
	s9 =	sld [smem:$0x3FB4]  }
0x2f: {  	lr =	sadd.s32 s0, s3;
	s0 =	sld [smem:$0x3FAB]  }
0x30: {  	s3 =	sld [smem:$0x3FAE]  }
0x31: {  	[smem:$0x3FB7] =	sst s10  }
0x32: {  	s10 =	sld [smem:$0x3FB5];
	_ =	sdelay $0x3  }
0x33: {  	p0 =	seq.s32 s10, $0x1;
	s10 =	sld [smem:$0x3FB7];
	_ =	sdelay $0x3  }
0x34: {  	[smem:$0x3FB7] =	sst s10  }
0x35: {  	s10 =	sld [smem:$0x3FB6];
	_ =	sdelay $0x3  }
0x36: {  	p1 =	seq.s32 s10, $0x1;
	s10 =	sld [smem:$0x3FB7];
	_ =	sdelay $0x3  }
0x37: {  	[smem:$0x3FB7] =	sst s10  }
0x38: {  	s10 =	sld [smem:$0x3FB8]  }
0x39: {  	_ = 	snop;
	(pc) =	sbr.ind lr, $3  }
0x3a: {  	_ = 	snop  }
0x3b: {  	_ = 	snop  }
0x3c: {  	p2 =	seq.s32 s10, $0x1;
	s10 =	sld [smem:$0x3FB7]  }
0x3d: {  	_ =	shalt  }
0x3e: {  	_ =	shalt  }
0x3f: {  	_ =	shalt  }
0x40: {  	_ =	shalt  }
0x41: {  	_ =	shalt  }
0x42: {  	_ =	shalt  }
0x43: {  	_ =	shalt  }
0x44: {  	_ =	shalt  }
0x45: {  	_ =	shalt  }
0x46: {  	_ =	shalt  }
0x47: {  	_ =	shalt  }
0x48: {  	_ =	shalt  }
0x49: {  	_ =	shalt  }
0x4a: {  	_ =	shalt  }
0x4b: {  	_ =	shalt  }
0x4c: {  	_ =	shalt  }
0x4d: {  	_ =	shalt  }
0x4e: {  	_ =	shalt  }
0x4f: {  	_ =	shalt  }
0x50: {  	_ =	shalt  }
0x51: {  	_ =	shalt  }
0x52: {  	_ =	shalt  }
0x53: {  	_ =	shalt  }
0x54: {  	_ =	shalt  }
0x55: {  	_ =	shalt  }
0x56: {  	_ =	shalt  }
0x57: {  	_ =	shalt  }
0x58: {  	_ =	shalt  }
0x59: {  	_ =	shalt  }
0x5a: {  	_ =	shalt  }
0x5b: {  	_ =	shalt  }
0x5c: {  	_ =	shalt  }
0x5d: {  	_ =	shalt  }
0x5e: {  	_ =	shalt  }
0x5f: {  	_ =	shalt  }
0x60: {  	_ =	shalt  }
0x61: {  	_ =	shalt  }
0x62: {  	_ =	shalt  }
0x63: {  	_ =	shalt  }
0x64: {  	_ =	shalt  }
0x65: {  	_ =	shalt  }
0x66: {  	_ =	shalt  }
0x67: {  	_ =	shalt  }
0x68: {  	_ =	shalt  }
0x69: {  	_ =	shalt  }
0x6a: {  	_ =	shalt  }
0x6b: {  	_ =	shalt  }
0x6c: {  	_ =	shalt  }
0x6d: {  	_ =	shalt  }
0x6e: {  	_ =	shalt  }
0x6f: {  	_ =	shalt  }
0x70: {  	_ =	shalt  }
0x71: {  	_ =	shalt  }
0x72: {  	_ =	shalt  }
0x73: {  	_ =	shalt  }
0x74: {  	_ =	shalt  }
0x75: {  	_ =	shalt  }
0x76: {  	_ =	shalt  }
0x77: {  	_ =	shalt  }
0x78: {  	_ =	shalt  }
0x79: {  	_ =	shalt  }
0x7a: {  	_ =	shalt  }
0x7b: {  	_ =	shalt  }
0x7c: {  	_ =	shalt  }
0x7d: {  	_ =	shalt  }
0x7e: {  	_ =	shalt  }
0x7f: {  	_ =	shalt  }
0x80: {  	_ =	shalt  }
0x81: {  	_ =	shalt  }
0x82: {  	_ =	shalt  }
0x83: {  	_ =	shalt  }
0x84: {  	_ =	shalt  }
0x85: {  	_ =	shalt  }
0x86: {  	_ =	shalt  }
0x87: {  	_ =	shalt  }
.Lfunc_end0:
.L_simem_size_0:
called_computation_lowered:
.L_overlay_start_0:
0x88: {  	s2 =	sld [smem:$0x3FD9]  }
0x89: {  	s3 =	sld [smem:$0x3FFE];
	_ =	sdelay $0x1  }
0x8a: {  	s1 =	srdreg.scid  }
0x8b: {  	s0 =	sand.u32 $0x1, s1  }
0x8c: {  	s14 =	sshll.u32 s0, $0xA;
	s2 =	sadd.s32 s3, s2  }
0x8d: {  	s2 =	sadd.s32 s2, s14  }
0x8e: {  	[smem:$0x3FC3] =	sst s2  }
0x8f: {  	_ = 	snop  }
0x90: {  	s2 =	sld [smem:$0x3FD0];
	_ =	sdelay $0x2  }
0x91: {  	s15 =	simm.s32 $0xA;
	s4 =	simm.s32 $0x10  }
0x92: {  	[smem:s4], [sflag:s15] =	dma.local [hbm:s2], $0x1  }
0x93: {  	_ =	swait.eq [sflag:s15], $0x1  }
0x94: {  	[sflag:s15] =	ssyncset.done $0x0  }
0x95: {  	s16 =	sld [smem:$0x10];
	[sflag:s15] =	ssyncadd.s32 $0xFFFFFFFF  }
0x96: {  	s17 =	sld [smem:$0x11];
	(tm) =	ssettm $0x1  }
0x97: {  	s18 =	sld [smem:$0x3FFB];
	_ =	sdelay $0x3  }
0x98: {  	_ =	strace s18  }
0x99: {  	s4 =	sld [smem:$0x3FFC];
	_ =	sdelay $0x3  }
0x9a: {  	_ =	strace s4  }
0x9b: {  	s4 =	sld [smem:$0x3FFD];
	_ =	sdelay $0x3  }
0x9c: {  	_ =	strace s4  }
0x9d: {  	_ =	strace $0x8FFFFFFF  }
0x9e: {  	s19 =	sld [smem:$0x3FDB];
	_ =	sdelay $0x1  }
0x9f: {  	s5 =	simm.s32 $_scs_section_size  }
0xa0: {  	s6 =	simm.s32 $_size__tile_overlayer_lowered;
	s7 =	simm.s32 $_tile_overlayer_lowered  }
0xa1: {  	s22 =	simm.s32 $0x1BFF;
	s21 =	sshll.u32 s7, $0x1;
	s4 =	sadd.s32 s5, s19  }
0xa2: {  	s8 =	simm.s32 $0x0;
	s20 =	sshll.u32 s6, $0x1;
	s6 =	sadd.s32 s21, s4  }
0xa3: {  	[timem:s8], [sflag:s22] =	dma.local [hbm:s6], s20  }
0xa4: {  	_ =	swait.ge [sflag:s22], s20  }
0xa5: {  	s5 =	ssub.s32 $0x0, s20;
	[sflag:s22] =	ssyncset.done $0x0  }
0xa6: {  	[sflag:s22] =	ssyncadd.s32 s5;
	_ =	sdelay $0x1  }
0xa7: {  	s23 =	simm.s32 $0x1B8B  }
0xa8: {  	_ =	swait.ge [sflag:s23], $0x1  }
0xa9: {  	[sflag:s23] =	ssyncset.done $0x0  }
0xaa: {  	s25 =	simm.s32 $0x1B8E;
	s24 =	sld [smem:$0x3FFE];
	[sflag:s23] =	ssyncadd.s32 $0xFFFFFFFF  }
0xab: {  	s26 =	simm.s32 $execute0_lowered;
	[smem:$0x3FD2] =	sst s25  }
0xac: {  	s6 =	sshll.u32 s26, $0x1;
	_ =	strace $0x80000046;
	[dreg:$0x1] =	wrdreg $0xFFFFFFFF  }
0xad: {  	s28 =	simm.s32 $_size_execute0_lowered;
	s4 =	sadd.s32 s4, s6;
	[dreg:$0x0] =	wrdreg $0x0  }
0xae: {  	s6 =	sshll.u32 s28, $0x1;
	[dreg:$0x2] =	wrdreg s4  }
0xaf: {  	[dreg:$0x3] =	wrdreg s6  }
0xb0: {  	[dreg:$0x4] =	wrdreg $0xC0  }
0xb1: {  	_ =	task [dreg:s8], $0x5FFFF  }
0xb2: {  	[dreg:$0x1] =	wrdreg $0xFFFFFFFF  }
0xb3: {  	[dreg:$0x0] =	wrdreg $0x60  }
0xb4: {  	[dreg:$0x2] =	wrdreg s24  }
0xb5: {  	[dreg:$0x3] =	wrdreg s17  }
0xb6: {  	[dreg:$0x4] =	wrdreg s16  }
0xb7: {  	[dreg:$0x5] =	wrdreg $0x9  }
0xb8: {  	_ =	task.clear_ibuf [dreg:s8], $0x6FFFF;
	_ =	strace $0x90000046  }
0xb9: {  	s29 =	simm.s32 $0x9;
	_ =	strace $0x80000048  }
0xba: {  	_ =	swait.ge [sflag:s29], $0x1  }
0xbb: {  	[sflag:s29] =	ssyncadd.s32 $0xFFFFFFFF  }
0xbc: {  	_ =	strace $0x90000048  }
0xbd: {  	_ =	sfence  }
0xbe: {  	s30 =	sld [smem:$0x0];
	_ =	sdelay $0x2  }
0xbf: {  	s31 =	sshll.u32 s1, $0xD;
	s1 =	sshrl.u32 s1, $0x2  }
0xc0: {  	s3 =	sand.u32 $0x4000, s31;
	s1 =	sadd.s32 s1, s30  }
0xc1: {  	s0 =	sor.u32 s3, s0;
	s1 =	sshll.u32 s1, $0x11  }
0xc2: {  	s0 =	sor.u32 s1, s0  }
0xc3: {  	s0 =	sadd.s32 $0x8F2B, s0  }
0xc4: {  	[sflag:s0] =	ssyncadd.remote.s32 $0x1  }
0xc5: {  	_ =	sfence.sel $0xFFFF  }
0xc6: {  	[dreg:$0x0] =	wrdreg $0xFFFFFFFF;
	(pc) =	sbr.abs _section_cstart, $3  }
0xc7: {  	[dreg:$0x1] =	wrdreg $0xFFFFFFFF  }
0xc8: {  	_ =	task.clear_ibuf [dreg:s8], $0x2FFFF;
	_ =	strace $0x9FFFFFFF  }
0xc9: {  	(tm) =	ssettm $0x7FFFFFFF  }
tec
execute0_lowered:
.L_overlay_start_1:
0x0: {  	(tag) =	ssettag $0x1  }
0x1: {  	s0 =	srdreg.scid  }
0x2: {  	s31 =	stileid.u32;
	s5 =	sand.u32 $0x1, s0  }
0x3: {  	s4 =	sshll.u32 s31, $0x1;
	s6 =	ssub.s32 $0x0, s5  }
0x4: {  	p0 =	sne.s32 s4, s6  }
.Ltmp0:
0x5: {  	_ = 	snop;
	(pc) =	sbr.rel @p0 .LBB2_9-.Ltmp0, $4  }
0x6: {  	_ = 	snop  }
0x7: {  	s9 =	rddreg [dreg:$0x0]  }
0x8: {  	s2 =	rddreg [dreg:$0x1]  }
0x9: {  	s3 =	rddreg [dreg:$0x2];
	_ =	strace $0x80000047  }
0xa: {  	v0 =	vimm.f32 $0.0e+00;
	vm0 =	vcmask $0x704;
	v2 =	vimm.s32 $0x0  }
0xb: {  	s4 =	sadd.s32 $0x2E00, s9;
	s10 =	ssub.s32 $0x2, s5;
	vm1 =	vmmov $0x1;
	vm2 =	vmmov $0x7;
	vm3 =	vmmov $0xf  }
0xc: {  	s5 =	sadd.s32 $0x1A00, s9;
	s6 =	sadd.s32 $0x2400, s9;
	s7 =	sadd.s32 $0x1000, s9;
	vm4 =	vmmov $0x1f;
	vm5 =	vmmov $0x3f;
	vm6 =	vmmov $0x7f  }
0xd: {  	s8 =	sadd.s32 $0x3800, s9;
	s9 =	sadd.s32 $0x4200, s9;
	s12 =	simm.s32 $0x1;
	v4 =	vimm.s32 $0x0;
	v1 =	vsel vm0, $0x3F800000, v0;
	vm0 =	vmmov $0x3  }
0xe: {  	vm7 =	vmmov $0xff;
	s13 =	simm.s32 $0x5000;
	s14 =	simm.s32 $0xA000;
	vm8 =	vmmov $0x1ff;
	s15 =	simm.s32 $0xF000;
	v4 =	vsel vm0, $0xFFFFFFFF, v4  }
0xf: {  	vm9 =	vmmov $0x3ff;
	vm10 =	vmmov $0x7ff;
	s16 =	simm.s32 $0x14000;
	s17 =	simm.s32 $0x19580;
	s11 =	sshrl.u32 s10, $0x1;
	[tilespmem:$0x1FFE0] =	vst v4;
	v4 =	vimm.s32 $0x0  }
0x10: {  	vm11 =	vmmov $0xfff;
	vm12 =	vmmov $0x1fff;
	s18 =	simm.s32 $0x19600;
	s19 =	simm.s32 $0x19700;
	s10 =	ssub.s32 s10, s11;
	v4 =	vsel vm1, $0xFFFFFFFF, v4  }
0x11: {  	vm13 =	vmmov $0x3fff;
	vm14 =	vmmov $0x7fff;
	v3 =	vlaneseq.u32;
	s20 =	simm.s32 $0x0;
	s11 =	simm.s32 $0x0;
	s10 =	smax.u32 s10, $0x1;
	[tilespmem:$0x1FFF0] =	vst v4  }
.LBB2_2:
0x12: {  	[tilespmem:s11], [sflag:$0x1] =	stream.linear.gather [hbm4b:s4+s11], $0x5000, $0x38;
	[tilespmem:$0x19C80] =	vst v63  }
0x13: {  	_ =	swait.ge [sflag:s12], $0x5000  }
0x14: {  	[sflag:s12] =	ssyncset.done $0x0  }
0x15: {  	[sflag:s12] =	ssyncadd.s32 $0xFFFFB000  }
0x16: {  	[tilespmem:s13], [sflag:$0x1] =	stream.linear.gather [hbm4b:s5+s11], $0x5000, $0x38;
	[tilespmem:$0x19C80] =	vst v63  }
0x17: {  	_ =	swait.ge [sflag:s12], $0x5000  }
0x18: {  	[sflag:s12] =	ssyncset.done $0x0  }
0x19: {  	[sflag:s12] =	ssyncadd.s32 $0xFFFFB000  }
0x1a: {  	[tilespmem:s14], [sflag:$0x1] =	stream.linear.gather [hbm4b:s6+s11], $0x5000, $0x38;
	[tilespmem:$0x19C80] =	vst v63  }
0x1b: {  	_ =	swait.ge [sflag:s12], $0x5000  }
0x1c: {  	[sflag:s12] =	ssyncset.done $0x0  }
0x1d: {  	[sflag:s12] =	ssyncadd.s32 $0xFFFFB000  }
0x1e: {  	[tilespmem:s15], [sflag:$0x1] =	stream.linear.gather [hbm4b:s7+s11], $0x5000, $0x38;
	[tilespmem:$0x19C80] =	vst v63  }
0x1f: {  	_ =	swait.ge [sflag:s12], $0x5000  }
0x20: {  	[sflag:s12] =	ssyncset.done $0x0  }
0x21: {  	[sflag:s12] =	ssyncadd.s32 $0xFFFFB000  }
0x22: {  	[tilespmem:s16], [sflag:$0x1] =	stream.linear.gather [hbm4b:s8+s11], $0x5000, $0x38;
	[tilespmem:$0x19C80] =	vst v63  }
0x23: {  	_ =	swait.ge [sflag:s12], $0x5000  }
0x24: {  	[sflag:s12] =	ssyncset.done $0x0  }
0x25: {  	[sflag:s12] =	ssyncadd.s32 $0xFFFFB000  }
0x26: {  	[tilespmem:s17], [sflag:$0x1] =	stream.linear.gather [hbm4b:s2+s11], $0x80, $0x38;
	[tilespmem:$0x19C80] =	vst v63  }
0x27: {  	_ =	swait.ge [sflag:s12], $0x80  }
0x28: {  	[sflag:s12] =	ssyncset.done $0x0  }
0x29: {  	[sflag:s12] =	ssyncadd.s32 $0xFFFFFF80  }
0x2a: {  	[tilespmem:$0x19600] =	vst v2  }
0x2b: {  	v4 =	vld [tilespmem:$0x19580];
	[tilespmem:$0x19610] =	vst v2  }
0x2c: {  	[tilespmem:$0x19620] =	vst v2  }
0x2d: {  	[tilespmem:$0x19630] =	vst v2  }
0x2e: {  	[tilespmem:$0x19640] =	vst v2  }
0x2f: {  	[tilespmem:$0x19650] =	vst v2  }
0x30: {  	[tilespmem:$0x19660] =	vst v2;
	v5 =	vmul.f32 v1, v4  }
0x31: {  	[tilespmem:$0x19670] =	vst v2  }
0x32: {  	[tilespmem:$0x19680] =	vst v2;
	(xrf2) =	vadd.scan.msk.f32 $0xffff, v5  }
0x33: {  	[tilespmem:$0x19690] =	vst v2  }
0x34: {  	[tilespmem:$0x196A0] =	vst v2  }
0x35: {  	[tilespmem:$0x196B0] =	vst v2  }
0x36: {  	[tilespmem:$0x196C0] =	vst v2  }
0x37: {  	[tilespmem:$0x196D0] =	vst v2  }
0x38: {  	[tilespmem:$0x196E0] =	vst v2  }
0x39: {  	s21 =	simm.s32 $0x14080;
	[tilespmem:$0x196F0] =	vst v2  }
0x3a: {  	v6 =	vld [tilespmem:s21+$0xFFFFFF80]  }
0x3b: {  	v7 =	vld [tilespmem:s21+$0xFFFFFF90]  }
0x3c: {  	v8 =	vld [tilespmem:s21+$0xFFFFFFA0];
	v5, _, _ =	vpop (xrf2)  }
0x3d: {  	v9 =	vld [tilespmem:s21+$0xFFFFFFB0];
	v5 =	vbroadcast v5, $0xF  }
0x3e: {  	v10 =	vld [tilespmem:s21+$0xFFFFFFC0]  }
0x3f: {  	v11 =	vld [tilespmem:s21+$0xFFFFFFD0];
	vm15 =	vgt.f32 v6, v5  }
0x40: {  	v12 =	vld [tilespmem:s21+$0xFFFFFFE0];
	v6 =	vnsel vm15, $0xFF800000, v6;
	vm15 =	vgt.f32 v7, v5  }
0x41: {  	v13 =	vld [tilespmem:s21+$0xFFFFFFF0];
	[tilespmem:s21+$0xFFFFFF80] =	vst v6;
	v7 =	vnsel vm15, $0xFF800000, v7;
	vm15 =	vgt.f32 v8, v5  }
0x42: {  	(xrf0) =	vmax.scan.msk.f32 $0xffff, v6;
	[tilespmem:s21+$0xFFFFFF90] =	vst v7;
	v6 =	vnsel vm15, $0xFF800000, v8;
	vm15 =	vgt.f32 v9, v5  }
0x43: {  	v8 =	vld [tilespmem:s21+$0x0];
	(xrf0) =	vmax.scan.msk.f32 $0xffff, v7;
	[tilespmem:s21+$0xFFFFFFA0] =	vst v6;
	v7 =	vnsel vm15, $0xFF800000, v9;
	vm15 =	vgt.f32 v10, v5  }
0x44: {  	(xrf0) =	vmax.scan.msk.f32 $0xffff, v6;
	[tilespmem:s21+$0xFFFFFFB0] =	vst v7;
	v6 =	vnsel vm15, $0xFF800000, v10;
	vm15 =	vgt.f32 v11, v5  }
0x45: {  	(xrf0) =	vmax.scan.msk.f32 $0xffff, v7;
	[tilespmem:s21+$0xFFFFFFC0] =	vst v6;
	v7 =	vnsel vm15, $0xFF800000, v11;
	vm15 =	vgt.f32 v12, v5  }
0x46: {  	(xrf0) =	vmax.scan.msk.f32 $0xffff, v6;
	v6 =	vimm.s32 $0x0;
	v12 =	vnsel vm15, $0xFF800000, v12;
	vm15 =	vgt.f32 v13, v5  }
0x47: {  	v6 =	vsel vm15, $0xFFFFFFFF, v6  }
0x48: {  	vm15 =	vgt.f32 v8, v5;
	[tilespmem:$0x1FF80] =	vst v6;
	v6 =	vimm.s32 $0x0  }
0x49: {  	v6 =	vsel vm15, $0xFFFFFFFF, v6  }
0x4a: {  	[tilespmem:$0x1FF90] =	vst v6;
	v6 =	vld [tilespmem:$0x1FF80]  }
0x4b: {  	v15 =	vld [tilespmem:$0x1FF90]  }
0x4c: {  	v9 =	vld [tilespmem:s21+$0x10]  }
0x4d: {  	v10 =	vld [tilespmem:s21+$0x20];
	_ =	sdelay $0x1  }
0x4e: {  	vm15 =	vnez.u8 v6  }
0x4f: {  	v6 =	vnsel vm15, $0xFF800000, v13;
	vm15 =	vnez.u8 v15  }
0x50: {  	v16 =	vimm.s32 $0x0;
	v8 =	vnsel vm15, $0xFF800000, v8;
	vm15 =	vgt.f32 v9, v5  }
0x51: {  	v41 =	vimm.s32 $0x0;
	v16 =	vsel vm15, $0xFFFFFFFF, v16;
	vm15 =	vgt.f32 v10, v5  }
0x52: {  	[tilespmem:$0x1FFA0] =	vst v16;
	v16 =	vsel vm15, $0xFFFFFFFF, v41  }
0x53: {  	[tilespmem:$0x1FFB0] =	vst v16;
	v17 =	vld [tilespmem:$0x1FFA0]  }
0x54: {  	v18 =	vld [tilespmem:$0x1FFB0]  }
0x55: {  	v11 =	vld [tilespmem:s21+$0x30]  }
0x56: {  	v14 =	vld [tilespmem:s21+$0x40]  }
0x57: {  	v47 =	vimm.s32 $0x0;
	v39 =	vld [tilespmem:s21+$0x50];
	[tilespmem:s21+$0xFFFFFFD0] =	vst v7;
	(xrf0) =	vmax.scan.msk.f32 $0xffff, v7;
	v7, _, _ =	vpop (xrf0)  }
0x58: {  	v49 =	vimm.s32 $0x0;
	v7 =	vbroadcast v7, $0xF;
	v40, _, _ =	vpop (xrf0);
	vm15 =	vnez.u8 v17  }
0x59: {  	v42, _, _ =	vpop (xrf0);
	v15 =	vbroadcast v40, $0xF;
	v9 =	vnsel vm15, $0xFF800000, v9;
	vm15 =	vnez.u8 v18  }
0x5a: {  	v16 =	vbroadcast v42, $0xF;
	v10 =	vnsel vm15, $0xFF800000, v10;
	vm15 =	vgt.f32 v11, v5  }
0x5b: {  	v7 =	vsel vm1, v7, v15;
	v11 =	vnsel vm15, $0xFF800000, v11;
	vm15 =	vgt.f32 v14, v5  }
0x5c: {  	v7 =	vsel vm0, v7, v16;
	v16 =	vsel vm15, $0xFFFFFFFF, v47;
	vm15 =	vgt.f32 v39, v5  }
0x5d: {  	(xrf0) =	vmax.scan.msk.f32 $0xffff, v12;
	[tilespmem:$0x1FFC0] =	vst v16;
	v18 =	vsel vm15, $0xFFFFFFFF, v49  }
0x5e: {  	(xrf0) =	vmax.scan.msk.f32 $0xffff, v6;
	[tilespmem:$0x1FFD0] =	vst v18;
	v50 =	vld [tilespmem:$0x1FFC0]  }
0x5f: {  	(xrf0) =	vmax.scan.msk.f32 $0xffff, v8;
	v19 =	vld [tilespmem:$0x1FFD0]  }
0x60: {  	v44, _, _ =	vpop (xrf0);
	(xrf0) =	vmax.scan.msk.f32 $0xffff, v9  }
0x61: {  	v43 =	vld [tilespmem:s21+$0x60];
	v46, _, _ =	vpop (xrf0)  }
0x62: {  	v45 =	vbroadcast v44, $0xF;
	v51, _, _ =	vpop (xrf0)  }
0x63: {  	v48 =	vbroadcast v46, $0xF;
	v52 =	vbroadcast v51, $0xF;
	v53, _, _ =	vpop (xrf0);
	(xrf0) =	vmax.scan.msk.f32 $0xffff, v10;
	vm15 =	vnez.u8 v50  }
0x64: {  	v7 =	vsel vm2, v7, v45;
	v54, _, _ =	vpop (xrf0);
	(xrf0) =	vmax.scan.msk.f32 $0xffff, v11;
	v14 =	vnsel vm15, $0xFF800000, v14;
	vm15 =	vnez.u8 v19  }
0x65: {  	v7 =	vsel vm3, v7, v48;
	v56, _, _ =	vpop (xrf0);
	[tilespmem:s21+$0x30] =	vst v11;
	v11 =	vld [tilespmem:s21+$0x70];
	v13 =	vnsel vm15, $0xFF800000, v39;
	(xrf0) =	vmax.scan.msk.f32 $0xffff, v14  }
0x66: {  	v55 =	vbroadcast v54, $0xF;
	v18 =	vbroadcast v53, $0xF;
	v58, _, _ =	vpop (xrf0);
	vm15 =	vgt.f32 v43, v5;
	(xrf0) =	vmax.scan.msk.f32 $0xffff, v13  }
0x67: {  	v7 =	vsel vm4, v7, v52;
	[tilespmem:s21+$0x20] =	vst v10;
	v10 =	vbroadcast v58, $0xF;
	v57 =	vnsel vm15, $0xFF800000, v43  }
0x68: {  	v15 =	vbroadcast v56, $0xF;
	v7 =	vsel vm5, v7, v18;
	(xrf0) =	vmax.scan.msk.f32 $0xffff, v57  }
0x69: {  	[tilespmem:s21+$0xFFFFFFE0] =	vst v12;
	v59, _, _ =	vpop (xrf0);
	v7 =	vsel vm6, v7, v55  }
0x6a: {  	p0 =	por $0x0, $0x0;
	[tilespmem:s21+$0x0] =	vst v8;
	v60 =	vbroadcast v59, $0xF;
	v61, _, _ =	vpop (xrf0);
	v7 =	vsel vm7, v7, v15;
	vm15 =	vgt.f32 v11, v5  }
.Ltmp1:
0x6b: {  	[tilespmem:s21+$0x10] =	vst v9;
	v62 =	vbroadcast v61, $0xF;
	v7 =	vsel vm8, v7, v10;
	v11 =	vnsel vm15, $0xFF800000, v11;
	v10, _, _ =	vpop (xrf0);
	(pc) =	sbr.rel @p0 .LBB2_4-.Ltmp1, $4  }
0x6c: {  	v7 =	vsel vm9, v7, v60;
	[tilespmem:s21+$0x40] =	vst v14;
	(xrf0) =	vmax.scan.msk.f32 $0xffff, v11;
	v10 =	vbroadcast v10, $0xF;
	v63, _, _ =	vpop (xrf0)  }
0x6d: {  	v7 =	vsel vm10, v7, v62;
	[tilespmem:s21+$0x50] =	vst v13;
	v9 =	vbroadcast v63, $0xF  }
0x6e: {  	[tilespmem:s21+$0x60] =	vst v57;
	v8, _, _ =	vpop (xrf0);
	v10 =	vsel vm11, v7, v10  }
0x6f: {  	s22 =	simm.s32 $0x40;
	s24 =	simm.s32 $0x14080;
	s23 =	simm.s32 $0x0;
	[tilespmem:s21+$0x70] =	vst v11;
	v7 =	vbroadcast v8, $0xF;
	v8 =	vsel vm12, v10, v9  }
.LBB2_3:
0x70: {  	_ =	sdelay $0x1  }
0x71: {  	v7 =	vsel vm13, v8, v7;
	v8, _, _ =	vpop (xrf0)  }
0x72: {  	[tilespmem:s21+$0xFFFFFFF0] =	vst v6;
	s26 =	sshra.s32 s23, $0x2;
	v6 =	vsel vm14, v7, v8  }
0x73: {  	s24 =	sadd.s32 $0x100, s24;
	[tilespmem:s26+$0x19000] =	vst v6  }
0x74: {  	v6 =	vld [tilespmem:s24+$0xFFFFFF80]  }
0x75: {  	v7 =	vld [tilespmem:s24+$0xFFFFFF90]  }
0x76: {  	v8 =	vld [tilespmem:s24+$0xFFFFFFA0]  }
0x77: {  	v9 =	vld [tilespmem:s24+$0xFFFFFFB0]  }
0x78: {  	v10 =	vld [tilespmem:s24+$0xFFFFFFC0]  }
0x79: {  	v11 =	vld [tilespmem:s24+$0xFFFFFFD0];
	vm15 =	vgt.f32 v6, v5  }
0x7a: {  	v12 =	vld [tilespmem:s24+$0xFFFFFFE0];
	v6 =	vnsel vm15, $0xFF800000, v6;
	vm15 =	vgt.f32 v7, v5  }
0x7b: {  	v13 =	vld [tilespmem:s24+$0xFFFFFFF0];
	v7 =	vnsel vm15, $0xFF800000, v7;
	vm15 =	vgt.f32 v8, v5;
	(xrf0) =	vmax.scan.msk.f32 $0xffff, v6  }
0x7c: {  	[tilespmem:s24+$0xFFFFFF80] =	vst v6;
	v6 =	vnsel vm15, $0xFF800000, v8;
	vm15 =	vgt.f32 v9, v5;
	v8 =	vld [tilespmem:s24+$0x0];
	(xrf0) =	vmax.scan.msk.f32 $0xffff, v7  }
0x7d: {  	[tilespmem:s24+$0xFFFFFF90] =	vst v7;
	v7 =	vnsel vm15, $0xFF800000, v9;
	vm15 =	vgt.f32 v10, v5;
	v9 =	vld [tilespmem:s24+$0x10];
	(xrf0) =	vmax.scan.msk.f32 $0xffff, v6  }
0x7e: {  	[tilespmem:s24+$0xFFFFFFA0] =	vst v6;
	v6 =	vnsel vm15, $0xFF800000, v10;
	vm15 =	vgt.f32 v11, v5;
	v10 =	vld [tilespmem:s24+$0x20];
	(xrf0) =	vmax.scan.msk.f32 $0xffff, v7  }
0x7f: {  	[tilespmem:s24+$0xFFFFFFB0] =	vst v7;
	v7 =	vnsel vm15, $0xFF800000, v11;
	vm15 =	vgt.f32 v12, v5;
	v11 =	vld [tilespmem:s24+$0x30];
	(xrf0) =	vmax.scan.msk.f32 $0xffff, v6  }
0x80: {  	v12 =	vnsel vm15, $0xFF800000, v12;
	vm15 =	vgt.f32 v13, v5;
	(xrf0) =	vmax.scan.msk.f32 $0xffff, v7  }
0x81: {  	[tilespmem:s24+$0xFFFFFFC0] =	vst v6;
	v6 =	vnsel vm15, $0xFF800000, v13;
	vm15 =	vgt.f32 v8, v5;
	v50, _, _ =	vpop (xrf0);
	(xrf0) =	vmax.scan.msk.f32 $0xffff, v12  }
0x82: {  	v8 =	vnsel vm15, $0xFF800000, v8;
	vm15 =	vgt.f32 v9, v5;
	v52, _, _ =	vpop (xrf0);
	(xrf0) =	vmax.scan.msk.f32 $0xffff, v6  }
0x83: {  	[tilespmem:s24+$0xFFFFFFD0] =	vst v7;
	v7 =	vld [tilespmem:s24+$0x50];
	v9 =	vnsel vm15, $0xFF800000, v9;
	vm15 =	vgt.f32 v10, v5;
	v16, _, _ =	vpop (xrf0);
	(xrf0) =	vmax.scan.msk.f32 $0xffff, v8  }
0x84: {  	v14 =	vld [tilespmem:s24+$0x40];
	v10 =	vnsel vm15, $0xFF800000, v10;
	vm15 =	vgt.f32 v11, v5;
	v17, _, _ =	vpop (xrf0);
	(xrf0) =	vmax.scan.msk.f32 $0xffff, v9  }
0x85: {  	v15 =	vld [tilespmem:s24+$0x60];
	v51 =	vbroadcast v50, $0xF;
	v13 =	vbroadcast v52, $0xF;
	v11 =	vnsel vm15, $0xFF800000, v11;
	v54, _, _ =	vpop (xrf0);
	(xrf0) =	vmax.scan.msk.f32 $0xffff, v10  }
0x86: {  	v16 =	vbroadcast v16, $0xF;
	v55, _, _ =	vpop (xrf0);
	(xrf0) =	vmax.scan.msk.f32 $0xffff, v11;
	[tilespmem:s24+$0x30] =	vst v11;
	v11 =	vld [tilespmem:s24+$0x70]  }
0x87: {  	[tilespmem:s24+$0xFFFFFFE0] =	vst v12;
	v12 =	vsel vm1, v51, v13;
	v53 =	vbroadcast v17, $0xF  }
0x88: {  	vm15 =	vgt.f32 v7, v5;
	v12 =	vsel vm0, v12, v16;
	v18 =	vbroadcast v54, $0xF  }
0x89: {  	vm0 =	vgt.f32 v14, v5;
	v7 =	vnsel vm15, $0xFF800000, v7;
	v12 =	vsel vm2, v12, v53;
	v57, _, _ =	vpop (xrf0)  }
0x8a: {  	[tilespmem:s24+$0x20] =	vst v10;
	v56 =	vbroadcast v55, $0xF;
	v10 =	vnsel vm0, $0xFF800000, v14;
	vm0 =	vgt.f32 v15, v5;
	v58, _, _ =	vpop (xrf0)  }
0x8b: {  	[tilespmem:s24+$0x50] =	vst v7;
	v15 =	vnsel vm0, $0xFF800000, v15;
	v59, _, _ =	vpop (xrf0);
	(xrf0) =	vmax.scan.msk.f32 $0xffff, v10;
	vm0 =	vgt.f32 v11, v5  }
0x8c: {  	v19 =	vbroadcast v57, $0xF;
	v12 =	vsel vm3, v12, v18;
	v61, _, _ =	vpop (xrf0);
	(xrf0) =	vmax.scan.msk.f32 $0xffff, v7;
	v7 =	vnsel vm0, $0xFF800000, v11;
	v11 =	vld [tilespmem:$0x1FFE0]  }
0x8d: {  	v14 =	vbroadcast v58, $0xF;
	v12 =	vsel vm4, v12, v56  }
0x8e: {  	v60 =	vbroadcast v59, $0xF;
	v12 =	vsel vm5, v12, v19;
	v62, _, _ =	vpop (xrf0);
	(xrf0) =	vmax.scan.msk.f32 $0xffff, v15  }
0x8f: {  	[tilespmem:s24+$0x0] =	vst v8;
	v16 =	vbroadcast v61, $0xF;
	v12 =	vsel vm6, v12, v14  }
0x90: {  	p0 =	seq.s32 s22, $0x13C0;
	[tilespmem:s24+$0x40] =	vst v10;
	v63 =	vbroadcast v62, $0xF;
	v10, _, _ =	vpop (xrf0);
	v12 =	vsel vm7, v12, v60  }
.Ltmp2:
0x91: {  	[tilespmem:s24+$0x10] =	vst v9;
	v10 =	vbroadcast v10, $0xF;
	v9, _, _ =	vpop (xrf0);
	vm0 =	vnez.u8 v11;
	v11 =	vsel vm8, v12, v16;
	(pc) =	sbr.rel @!p0 .LBB2_3-.Ltmp2, $4  }
0x92: {  	(xrf0) =	vmax.scan.msk.f32 $0xffff, v7;
	[tilespmem:s24+$0x70] =	vst v7;
	v9 =	vbroadcast v9, $0xF;
	v7, _, _ =	vpop (xrf0);
	v8 =	vsel vm9, v11, v63  }
0x93: {  	v8 =	vsel vm10, v8, v10;
	v10 =	vbroadcast v7, $0xF  }
0x94: {  	s25 =	smov.u32 s22;
	v7, _, _ =	vpop (xrf0);
	v8 =	vsel vm11, v8, v9  }
0x95: {  	s22 =	sadd.s32 $0x40, s22;
	s23 =	smov.u32 s25;
	s21 =	smov.u32 s24;
	[tilespmem:s24+$0x60] =	vst v15;
	v7 =	vbroadcast v7, $0xF;
	v8 =	vsel vm12, v8, v10  }
.LBB2_4:
0x96: {  	_ =	sdelay $0x1  }
0x97: {  	v5 =	vsel vm13, v8, v7;
	v7, _, _ =	vpop (xrf0)  }
0x98: {  	[tilespmem:s21+$0xFFFFFFF0] =	vst v6;
	s31 =	sshra.s32 s23, $0x2;
	v5 =	vsel vm14, v5, v7  }
0x99: {  	s22 =	simm.s32 $0x19080;
	[tilespmem:s31+$0x19000] =	vst v5  }
0x9a: {  	v6 =	vld [tilespmem:s22+$0xFFFFFF80]  }
0x9b: {  	s21 =	simm.s32 $0x0;
	s23 =	simm.s32 $0x40;
	v5 =	vld [tilespmem:s22+$0xFFFFFF90]  }
.LBB2_5:
0x9c: {  	p0 =	seq.s32 s23, $0x100;
	v7 =	vld [tilespmem:s22+$0xFFFFFFA0]  }
0x9d: {  	v8 =	vld [tilespmem:s22+$0xFFFFFFB0]  }
0x9e: {  	v9 =	vld [tilespmem:s22+$0xFFFFFFC0]  }
0x9f: {  	v10 =	vld [tilespmem:s22+$0xFFFFFFD0];
	(xrf0) =	vmax.scan.msk.f32 $0xffff, v6  }
0xa0: {  	v6 =	vld [tilespmem:s22+$0xFFFFFFE0];
	(xrf0) =	vmax.scan.msk.f32 $0xffff, v5  }
0xa1: {  	v5 =	vld [tilespmem:s22+$0xFFFFFFF0];
	(xrf0) =	vmax.scan.msk.f32 $0xffff, v7  }
0xa2: {  	v7 =	vld [tilespmem:s22+$0x0];
	(xrf0) =	vmax.scan.msk.f32 $0xffff, v8  }
0xa3: {  	v8 =	vld [tilespmem:s22+$0x10];
	(xrf0) =	vmax.scan.msk.f32 $0xffff, v9  }
0xa4: {  	v9 =	vld [tilespmem:s22+$0x20];
	(xrf0) =	vmax.scan.msk.f32 $0xffff, v10  }
0xa5: {  	v10 =	vld [tilespmem:s22+$0x30];
	v11, _, _ =	vpop (xrf0);
	(xrf0) =	vmax.scan.msk.f32 $0xffff, v6  }
0xa6: {  	v6 =	vld [tilespmem:s22+$0x40];
	v12, _, _ =	vpop (xrf0);
	(xrf0) =	vmax.scan.msk.f32 $0xffff, v5  }
0xa7: {  	v5 =	vbroadcast v11, $0xF;
	v15 =	vbroadcast v12, $0xF;
	v12 =	vld [tilespmem:s22+$0x50];
	v13, _, _ =	vpop (xrf0);
	(xrf0) =	vmax.scan.msk.f32 $0xffff, v7  }
0xa8: {  	v7 =	vbroadcast v13, $0xF;
	v13 =	vld [tilespmem:s22+$0x60];
	v14, _, _ =	vpop (xrf0);
	(xrf0) =	vmax.scan.msk.f32 $0xffff, v8  }
0xa9: {  	v5 =	vsel vm1, v5, v15;
	v8 =	vbroadcast v14, $0xF;
	v11, _, _ =	vpop (xrf0);
	(xrf0) =	vmax.scan.msk.f32 $0xffff, v9  }
0xaa: {  	v5 =	vsel vm0, v5, v7;
	v11 =	vbroadcast v11, $0xF;
	v9, _, _ =	vpop (xrf0);
	(xrf0) =	vmax.scan.msk.f32 $0xffff, v10  }
0xab: {  	v5 =	vsel vm2, v5, v8;
	v14 =	vbroadcast v9, $0xF;
	v9 =	vld [tilespmem:s22+$0x70];
	v10, _, _ =	vpop (xrf0);
	(xrf0) =	vmax.scan.msk.f32 $0xffff, v6  }
0xac: {  	v5 =	vsel vm3, v5, v11;
	v6 =	vbroadcast v10, $0xF;
	v7, _, _ =	vpop (xrf0);
	(xrf0) =	vmax.scan.msk.f32 $0xffff, v12  }
0xad: {  	v5 =	vsel vm4, v5, v14;
	v7 =	vbroadcast v7, $0xF;
	v8, _, _ =	vpop (xrf0);
	(xrf0) =	vmax.scan.msk.f32 $0xffff, v13  }
0xae: {  	v5 =	vsel vm5, v5, v6;
	v6 =	vbroadcast v8, $0xF;
	v8, _, _ =	vpop (xrf0)  }
0xaf: {  	v5 =	vsel vm6, v5, v7;
	v7 =	vbroadcast v8, $0xF;
	v8, _, _ =	vpop (xrf0)  }
0xb0: {  	v5 =	vsel vm7, v5, v6;
	v6 =	vbroadcast v8, $0xF;
	v8, _, _ =	vpop (xrf0);
	(xrf0) =	vmax.scan.msk.f32 $0xffff, v9  }
0xb1: {  	v5 =	vsel vm8, v5, v7;
	v7 =	vbroadcast v8, $0xF;
	v8, _, _ =	vpop (xrf0)  }
0xb2: {  	v5 =	vsel vm9, v5, v6;
	v6 =	vbroadcast v8, $0xF;
	v8, _, _ =	vpop (xrf0)  }
0xb3: {  	v5 =	vsel vm10, v5, v7;
	v7 =	vbroadcast v8, $0xF;
	v8, _, _ =	vpop (xrf0)  }
0xb4: {  	v5 =	vsel vm11, v5, v6;
	v8 =	vbroadcast v8, $0xF  }
0xb5: {  	v5 =	vsel vm12, v5, v7  }
.Ltmp3:
0xb6: {  	v5 =	vsel vm13, v5, v8;
	v6, _, _ =	vpop (xrf0);
	(pc) =	sbr.rel @!p0 .LBB2_5-.Ltmp3, $4  }
0xb7: {  	s24 =	sshra.s32 s21, $0x2;
	s21 =	smov.u32 s23;
	v5 =	vsel vm14, v5, v6  }
0xb8: {  	s22 =	sadd.s32 $0x100, s22;
	[tilespmem:s24+$0x19500] =	vst v5  }
0xb9: {  	v6 =	vld [tilespmem:s22+$0xFFFFFF80]  }
0xba: {  	s23 =	sadd.s32 $0x40, s23;
	v5 =	vld [tilespmem:s22+$0xFFFFFF90]  }
0xbb: {  	v7 =	vld [tilespmem:s22+$0xFFFFFFA0]  }
0xbc: {  	v8 =	vld [tilespmem:s22+$0xFFFFFFB0]  }
0xbd: {  	v9 =	vld [tilespmem:s22+$0xFFFFFFC0]  }
0xbe: {  	(xrf0) =	vmax.scan.msk.f32 $0xffff, v6  }
0xbf: {  	v10 =	vld [tilespmem:s22+$0xFFFFFFD0];
	(xrf0) =	vmax.scan.msk.f32 $0xffff, v5  }
0xc0: {  	v6 =	vld [tilespmem:s22+$0xFFFFFFE0];
	(xrf0) =	vmax.scan.msk.f32 $0xffff, v7  }
0xc1: {  	v5 =	vld [tilespmem:s22+$0xFFFFFFF0];
	(xrf0) =	vmax.scan.msk.f32 $0xffff, v8  }
0xc2: {  	v7 =	vld [tilespmem:s22+$0x0];
	(xrf0) =	vmax.scan.msk.f32 $0xffff, v9;
	_ =	sdelay $0x1  }
0xc3: {  	v45 =	vld [tilespmem:s22+$0x10];
	(xrf0) =	vmax.scan.msk.f32 $0xffff, v10;
	v11, _, _ =	vpop (xrf0)  }
0xc4: {  	v46 =	vld [tilespmem:s22+$0x20];
	(xrf0) =	vmax.scan.msk.f32 $0xffff, v6;
	v12, _, _ =	vpop (xrf0)  }
0xc5: {  	v47 =	vld [tilespmem:s22+$0x30];
	(xrf0) =	vmax.scan.msk.f32 $0xffff, v5;
	v5 =	vbroadcast v11, $0xF;
	v48 =	vbroadcast v12, $0xF;
	v13, _, _ =	vpop (xrf0)  }
0xc6: {  	v6 =	vld [tilespmem:s22+$0x40];
	(xrf0) =	vmax.scan.msk.f32 $0xffff, v7;
	v7 =	vbroadcast v13, $0xF;
	v14, _, _ =	vpop (xrf0)  }
0xc7: {  	v49 =	vld [tilespmem:s22+$0x50];
	v5 =	vsel vm1, v5, v48;
	v52, _, _ =	vpop (xrf0)  }
0xc8: {  	v50 =	vld [tilespmem:s22+$0x60];
	(xrf0) =	vmax.scan.msk.f32 $0xffff, v45;
	v5 =	vsel vm0, v5, v7;
	v7 =	vbroadcast v52, $0xF  }
0xc9: {  	v51 =	vbroadcast v14, $0xF;
	(xrf0) =	vmax.scan.msk.f32 $0xffff, v46  }
0xca: {  	v53, _, _ =	vpop (xrf0);
	(xrf0) =	vmax.scan.msk.f32 $0xffff, v47  }
0xcb: {  	v5 =	vsel vm2, v5, v51;
	v54 =	vbroadcast v53, $0xF;
	v56, _, _ =	vpop (xrf0);
	(xrf0) =	vmax.scan.msk.f32 $0xffff, v6  }
0xcc: {  	v5 =	vsel vm3, v5, v7;
	v6 =	vbroadcast v56, $0xF;
	v7, _, _ =	vpop (xrf0);
	(xrf0) =	vmax.scan.msk.f32 $0xffff, v49  }
0xcd: {  	v55 =	vld [tilespmem:s22+$0x70];
	v5 =	vsel vm4, v5, v54;
	v7 =	vbroadcast v7, $0xF;
	v57, _, _ =	vpop (xrf0);
	(xrf0) =	vmax.scan.msk.f32 $0xffff, v50  }
0xce: {  	v5 =	vsel vm5, v5, v6;
	v6 =	vbroadcast v57, $0xF;
	v58, _, _ =	vpop (xrf0)  }
0xcf: {  	v5 =	vsel vm6, v5, v7;
	v7 =	vbroadcast v58, $0xF;
	v59, _, _ =	vpop (xrf0)  }
0xd0: {  	v5 =	vsel vm7, v5, v6;
	v6 =	vbroadcast v59, $0xF;
	v60, _, _ =	vpop (xrf0)  }
0xd1: {  	v5 =	vsel vm8, v5, v7;
	v7 =	vbroadcast v60, $0xF;
	v61, _, _ =	vpop (xrf0)  }
0xd2: {  	(xrf0) =	vmax.scan.msk.f32 $0xffff, v55;
	v5 =	vsel vm9, v5, v6;
	v6 =	vbroadcast v61, $0xF;
	v62, _, _ =	vpop (xrf0)  }
0xd3: {  	v5 =	vsel vm10, v5, v7;
	v63, _, _ =	vpop (xrf0)  }
0xd4: {  	v5 =	vsel vm11, v5, v6;
	v6 =	vbroadcast v63, $0xF  }
0xd5: {  	v7 =	vbroadcast v62, $0xF;
	_ =	sdelay $0x1  }
0xd6: {  	v5 =	vsel vm12, v5, v7  }
0xd7: {  	v5 =	vsel vm13, v5, v6;
	v6, _, _ =	vpop (xrf0)  }
0xd8: {  	s21 =	sshra.s32 s21, $0x2;
	vm0 =	vcmask $0x300;
	v5 =	vsel vm14, v5, v6  }
0xd9: {  	[tilespmem:s21+$0x19500] =	vst v5;
	v5 =	vsel vm0, $0x3F800000, v0  }
0xda: {  	v4 =	vmul.f32 v5, v4;
	_ =	sdelay $0x1  }
0xdb: {  	(xrf2) =	vadd.scan.msk.f32 $0xffff, v4;
	_ =	sdelay $0x9  }
0xdc: {  	v4, _, _ =	vpop (xrf2)  }
0xdd: {  	s31 =	simm.s32 $0x0;
	v4 =	vbroadcast v4, $0xF  }
.LBB2_7:
0xde: {  	v5 =	vld [tilespmem:$0x19500]  }
0xdf: {  	v6 =	vld [tilespmem:$0x19510];
	_ =	sdelay $0x1  }
0xe0: {  	v7 =	vld [tilespmem:$0x19520]  }
0xe1: {  	v8 =	vld [tilespmem:$0x19530]  }
0xe2: {  	(xrf0) =	vmax.scan.msk.f32 $0xffff, v5  }
0xe3: {  	v5 =	vld [tilespmem:$0x19540];
	(xrf0) =	vmax.scan.msk.f32 $0xffff, v6;
	_ =	sdelay $0x1  }
0xe4: {  	(xrf0) =	vmax.scan.msk.f32 $0xffff, v7  }
0xe5: {  	(xrf0) =	vmax.scan.msk.f32 $0xffff, v8;
	_ =	sdelay $0x1  }
0xe6: {  	v6, _, _ =	vpop (xrf0);
	(xrf0) =	vmax.scan.msk.f32 $0xffff, v5  }
0xe7: {  	v5, _, _ =	vpop (xrf0);
	(v2sf) =	vpush v6, $0xF  }
0xe8: {  	(v2sf) =	vpush v5, $0xF  }
0xe9: {  	v6, _, _ =	vpop (xrf0)  }
0xea: {  	(v2sf) =	vpush v6, $0xF;
	v5, _, _ =	vpop (xrf0)  }
0xeb: {  	(v2sf) =	vpush v5, $0xF  }
0xec: {  	v5, _, _ =	vpop (xrf0)  }
0xed: {  	(v2sf) =	vpush v5, $0xF;
	_ =	sdelay $0x8  }
0xee: {  	s21 =	spop (v2sf)  }
0xef: {  	s22 =	spop (v2sf)  }
0xf0: {  	s23 =	smax.f32 s22, s21  }
0xf1: {  	s24 =	spop (v2sf);
	p0 =	sgt.f32 s22, s21  }
0xf2: {  	s26 =	smax.f32 s24, s23;
	s28 =	spop (v2sf)  }
0xf3: {  	s21 =	simm.s32 $0x10;
	p1 =	sgt.f32 s24, s23;
	p2 =	sgt.f32 s28, s26  }
0xf4: {  	s22 =	smax.f32 s28, s26;
	s21 =	simm.s32 @!p0 $0x0;
	s29 =	spop (v2sf)  }
0xf5: {  	s21 =	simm.s32 @p1 $0x20;
	p0 =	sgt.f32 s29, s22  }
0xf6: {  	s21 =	simm.s32 @p2 $0x30  }
0xf7: {  	s21 =	simm.s32 @p0 $0x40  }
0xf8: {  	v5 =	vld [tilespmem:s21+$0x19500];
	_ =	sdelay $0x3  }
0xf9: {  	s25 =	smax.f32 s29, s22  }
0xfa: {  	v18 =	vor.u32 $0x80000000, v3;
	v9 =	vadd.s32 $0x80000063, v3;
	vm0 =	vne.f32 v5, s25  }
0xfb: {  	v6 =	vsel vm0, v9, v18  }
0xfc: {  	(xrf0) =	vmin.scan.msk.u32 $0xffff, v6;
	_ =	sdelay $0x5  }
0xfd: {  	v6, _, _ =	vpop (xrf0)  }
0xfe: {  	(v2sf) =	vpush v6, $0xF;
	_ =	sdelay $0xe  }
0xff: {  	s23 =	spop (v2sf)  }
0x100: {  	s0 =	sadd.s32 s21, s23  }
0x101: {  	s22 =	sshll.u32 s0, $0x4  }
0x102: {  	v6 =	vld [tilespmem:s22+$0x19000];
	_ =	sdelay $0x4  }
0x103: {  	vm0 =	vne.f32 v6, s25  }
0x104: {  	v7 =	vsel vm0, v9, v18  }
0x105: {  	(xrf0) =	vmin.scan.msk.u32 $0xffff, v7;
	_ =	sdelay $0x5  }
0x106: {  	v7, _, _ =	vpop (xrf0)  }
0x107: {  	(v2sf) =	vpush v7, $0xF;
	_ =	sdelay $0xe  }
0x108: {  	s28 =	spop (v2sf)  }
0x109: {  	s1 =	sadd.s32 s28, s22  }
0x10a: {  	s24 =	sshll.u32 s1, $0x4  }
0x10b: {  	v7 =	vld [tilespmem:s24+$0x14000];
	_ =	sdelay $0x4  }
0x10c: {  	vm0 =	vne.f32 v7, s25  }
0x10d: {  	v8 =	vsel vm0, v9, v18  }
0x10e: {  	(xrf0) =	vmin.scan.msk.u32 $0xffff, v8;
	_ =	sdelay $0x5  }
0x10f: {  	v8, _, _ =	vpop (xrf0)  }
0x110: {  	(v2sf) =	vpush v8, $0xF;
	_ =	sdelay $0xe  }
0x111: {  	v19 =	vld [tilespmem:s24+$0x0];
	s26 =	spop (v2sf)  }
0x112: {  	v20 =	vld [tilespmem:s24+$0x5000];
	s26 =	sxor.u32 $0x80000000, s26  }
0x113: {  	v10 =	vld [tilespmem:s24+$0xA000];
	v12 =	vmov s26  }
0x114: {  	v11 =	vld [tilespmem:s24+$0xF000];
	vm0 =	veq.s32 v12, v3  }
0x115: {  	v13 =	vsel vm0, $0x3F800000, v2  }
0x116: {  	v8 =	vmul.f32 v13, v19  }
0x117: {  	v9 =	vmul.f32 v13, v20  }
0x118: {  	v21 =	vmul.f32 v13, v10;
	(xrf2) =	vadd.scan.msk.f32 $0xffff, v8  }
0x119: {  	v22 =	vmul.f32 v13, v11;
	(xrf2) =	vadd.scan.msk.f32 $0xffff, v9  }
0x11a: {  	(xrf2) =	vadd.scan.msk.f32 $0xffff, v21  }
0x11b: {  	(xrf2) =	vadd.scan.msk.f32 $0xffff, v22;
	_ =	sdelay $0x5  }
0x11c: {  	v14 =	vld [tilespmem:$0x19780]  }
0x11d: {  	v15 =	vld [tilespmem:$0x19880];
	v23, _, _ =	vpop (xrf2)  }
0x11e: {  	v16 =	vld [tilespmem:$0x19980];
	v24, _, _ =	vpop (xrf2);
	(v2sf) =	vpush v23, $0xF  }
0x11f: {  	v17 =	vld [tilespmem:$0x19A80];
	v25, _, _ =	vpop (xrf2);
	(v2sf) =	vpush v24, $0xF  }
0x120: {  	v28 =	vld [tilespmem:$0x19B80];
	(v2sf) =	vpush v25, $0xF;
	v26, _, _ =	vpop (xrf2)  }
0x121: {  	v29 =	vld [tilespmem:$0x19790];
	(v2sf) =	vpush v26, $0xF  }
0x122: {  	v30 =	vld [tilespmem:$0x19890]  }
0x123: {  	v31 =	vld [tilespmem:$0x19990]  }
0x124: {  	v33 =	vld [tilespmem:$0x197A0]  }
0x125: {  	v35 =	vld [tilespmem:$0x199A0]  }
0x126: {  	v50 =	vld [tilespmem:$0x19AC0]  }
0x127: {  	v53 =	vld [tilespmem:$0x197D0]  }
0x128: {  	v21 =	vld [tilespmem:$0x197B0]  }
0x129: {  	v20 =	vld [tilespmem:$0x198A0]  }
0x12a: {  	v22 =	vld [tilespmem:$0x198B0];
	v11 =	vbroadcast v23, $0xF  }
0x12b: {  	v61 =	vor.u32 $0x10, v3;
	v18 =	vld [tilespmem:$0x19A90]  }
0x12c: {  	v23 =	vld [tilespmem:$0x199B0];
	v9 =	vbroadcast v24, $0xF;
	v10 =	vbroadcast v25, $0xF;
	v27 =	vmax.f32 v11, v14  }
0x12d: {  	v36 =	vld [tilespmem:$0x19AA0];
	v32 =	vmax.f32 v11, v29;
	v48 =	vmax.f32 v11, v21;
	v8 =	vbroadcast v26, $0xF;
	s29 =	spop (v2sf)  }
0x12e: {  	v60 =	vld [tilespmem:$0x197E0];
	v62 =	vmax.f32 v11, v53;
	v15 =	vmax.f32 v9, v15;
	v20 =	vmax.f32 v9, v20;
	s30 =	spop (v2sf)  }
0x12f: {  	v25 =	vld [tilespmem:$0x198D0];
	v22 =	vmax.f32 v9, v22;
	v16 =	vmin.f32 v10, v16;
	v17 =	vmin.f32 v8, v17;
	s1 =	spop (v2sf)  }
0x130: {  	v38 =	vld [tilespmem:$0x19BA0];
	v13 =	vsub.f32 v16, v27;
	v18 =	vmin.f32 v8, v18;
	v16 =	vmax.f32 v11, v33;
	s0 =	spop (v2sf);
	s1 =	ssub.f32 s1, s29  }
0x131: {  	v40 =	vld [tilespmem:$0x19AB0];
	v49 =	vmin.f32 v10, v23;
	v23 =	vmin.f32 v8, v50;
	v15 =	vsub.f32 v17, v15;
	s0 =	ssub.f32 s0, s30  }
0x132: {  	v44 =	vld [tilespmem:$0x197C0];
	v17 =	vmax.f32 v9, v30;
	v21 =	vsub.f32 v49, v48;
	v13 =	vmax.f32 v13, $0.0e+00  }
0x133: {  	v63 =	vld [tilespmem:$0x199E0];
	v34 =	vsub.f32 v18, v17;
	v17 =	vmin.f32 v10, v35;
	v18 =	vmin.f32 v8, v36;
	s29 =	smul.f32 s0, s1  }
0x134: {  	v19 =	vld [tilespmem:$0x19B90];
	v25 =	vmax.f32 v9, v25;
	v35 =	vmax.f32 v11, v60;
	v15 =	vmax.f32 v15, $0.0e+00  }
0x135: {  	v46 =	vld [tilespmem:$0x198C0];
	v16 =	vsub.f32 v17, v16;
	v13 =	vmul.f32 v15, v13;
	v14 =	vadd.f32 s29, v28  }
0x136: {  	v41 =	vld [tilespmem:$0x19BB0];
	v39 =	vsub.f32 v18, v20;
	v18 =	vmin.f32 v8, v40;
	v51 =	vmax.f32 v21, $0.0e+00  }
0x137: {  	v56 =	vld [tilespmem:$0x19AD0];
	v17 =	vmax.f32 v11, v44;
	v15 =	vmin.f32 v10, v31;
	v14 =	vsub.f32 v14, v13  }
0x138: {  	v55 =	vld [tilespmem:$0x199D0];
	v18 =	vsub.f32 v18, v22;
	v22 =	vmin.f32 v10, v63;
	v42 =	vmax.f32 v16, $0.0e+00  }
0x139: {  	v52 =	vld [tilespmem:$0x19BC0];
	v37 =	vadd.f32 s29, v19;
	v45 =	vadd.f32 s29, v38;
	v14 =	vmax.f32 v14, $9.999999970e-07  }
0x13a: {  	v57 =	vld [tilespmem:$0x19BD0];
	v19 =	vmax.f32 v9, v46;
	(erf) = vrcp.f32 v14;
	v14 =	vsub.f32 v15, v32  }
0x13b: {  	v27 =	vld [tilespmem:$0x198E0];
	v43 =	vmax.f32 v39, $0.0e+00;
	v20 =	vadd.f32 s29, v41;
	v54 =	vsub.f32 v23, v19  }
0x13c: {  	v28 =	vld [tilespmem:$0x19AE0];
	v23 =	vmin.f32 v8, v56;
	v15 =	vmax.f32 v34, $0.0e+00;
	v14 =	vmax.f32 v14, $0.0e+00  }
0x13d: {  	v40 =	vld [tilespmem:$0x197F0];
	v19 =	vmin.f32 v10, v55;
	v30 =	vsub.f32 v23, v25;
	v14 =	vmul.f32 v15, v14  }
0x13e: {  	v63 =	vld [tilespmem:$0x19910];
	v18 =	vmax.f32 v18, $0.0e+00;
	v59 =	vadd.f32 s29, v52;
	v19 =	vsub.f32 v19, v62  }
0x13f: {  	v41 =	vor.u32 $0x20, v3;
	v33 =	vmax.f32 v30, $0.0e+00;
	v30 =	vld [tilespmem:$0x19920];
	v15 =	vsub.f32 v37, v14  }
0x140: {  	v47 =	vld [tilespmem:$0x199C0];
	v52 =	vor.u32 $0x30, v3;
	v32 =	vmax.f32 v19, $0.0e+00;
	v34 =	vadd.f32 s29, v57  }
0x141: {  	v36 =	vld [tilespmem:$0x19BE0];
	v38 =	vmin.f32 v8, v28;
	v19 =	vsub.f32 v22, v35;
	v15 =	vmax.f32 v15, $9.999999970e-07  }
0x142: {  	v37 =	vmax.f32 v9, v27;
	(erf) = vrcp.f32 v15;
	v15 =	vmul.f32 v43, v42  }
0x143: {  	v22 =	vmax.f32 v11, v40;
	v28 =	vmax.f32 v9, v63;
	v21 =	vsub.f32 v38, v37  }
0x144: {  	v30 =	vmax.f32 v9, v30;
	v42 =	vld [tilespmem:$0x198F0];
	v43 =	vmax.f32 v19, $0.0e+00;
	v24 =	vpop (erf);
	v16 =	vsub.f32 v45, v15  }
0x145: {  	v44 =	vmax.f32 v21, $0.0e+00;
	v13 =	vmul.f32 v24, v13;
	v24 =	vmin.f32 v10, v47  }
0x146: {  	v45 =	vld [tilespmem:$0x199F0];
	v47 =	vadd.f32 s29, v36;
	v17 =	vsub.f32 v24, v17;
	v16 =	vmax.f32 v16, $9.999999970e-07  }
0x147: {  	v48 =	vld [tilespmem:$0x19AF0];
	vm0 =	vge.f32 v13, v4;
	v13 =	vmov s31;
	(erf) = vrcp.f32 v16  }
0x148: {  	v16 =	vmul.f32 v18, v51;
	v17 =	vmax.f32 v17, $0.0e+00;
	v18 =	vmax.f32 v54, $0.0e+00;
	v51 =	vld [tilespmem:$0x19800]  }
0x149: {  	vm15 =	vgt.u32 v13, v3;
	v54 =	vld [tilespmem:$0x19900];
	v23 =	vmax.f32 v9, v42;
	v17 =	vmul.f32 v18, v17  }
0x14a: {  	v38 =	vld [tilespmem:$0x19820];
	vm0 =	vmand vm15, vm0;
	vm15 =	vgt.u32 v13, v61;
	v20 =	vsub.f32 v20, v16  }
0x14b: {  	v58 =	vsel vm0, $0x3F800000, v0;
	v21 =	vmin.f32 v10, v45;
	v18 =	vsub.f32 v59, v17;
	v26 =	vpop (erf)  }
0x14c: {  	v21 =	vsub.f32 v21, v22;
	v20 =	vmax.f32 v20, $9.999999970e-07;
	v14 =	vmul.f32 v26, v14  }
0x14d: {  	v40 =	vld [tilespmem:$0x19A20];
	(erf) = vrcp.f32 v20;
	v31 =	vmax.f32 v18, $9.999999970e-07;
	v20 =	vmin.f32 v8, v48  }
0x14e: {  	v21 =	vmax.f32 v21, $0.0e+00;
	v37 =	vmax.f32 v11, v51;
	v27 =	vmax.f32 v9, v54  }
0x14f: {  	v26 =	vmax.f32 v11, v38;
	v51 =	vld [tilespmem:$0x19840];
	v20 =	vsub.f32 v20, v23;
	vm0 =	vge.f32 v14, v4  }
0x150: {  	(erf) = vrcp.f32 v31;
	vm0 =	vmand vm15, vm0;
	vm15 =	vgt.u32 v13, v41  }
0x151: {  	v49 =	vld [tilespmem:$0x19BF0];
	v20 =	vmax.f32 v20, $0.0e+00;
	v41 =	vor.u32 $0x50, v3;
	v39 =	vsel vm0, $0x3F800000, v0  }
0x152: {  	v62 =	vld [tilespmem:$0x19810];
	v29 =	vpop (erf);
	v20 =	vmul.f32 v20, v21;
	vm1 =	vgt.u32 v13, v41;
	v21 =	vmin.f32 v10, v40  }
0x153: {  	v57 =	vld [tilespmem:$0x19A00];
	v14 =	vmul.f32 v29, v15;
	v15 =	vmul.f32 v33, v32;
	v24 =	vmax.f32 v58, v39  }
0x154: {  	v58 =	vor.u32 $0x40, v3;
	v33 =	vld [tilespmem:$0x19A10];
	v21 =	vsub.f32 v21, v26;
	v26 =	vmax.f32 v11, v51  }
0x155: {  	v61 =	vld [tilespmem:$0x19C00];
	vm0 =	vge.f32 v14, v4;
	v18 =	vsub.f32 v34, v15;
	v14 =	vmul.f32 v44, v43  }
0x156: {  	v59 =	vld [tilespmem:$0x19B00];
	v21 =	vmax.f32 v21, $0.0e+00;
	vm0 =	vmand vm15, vm0;
	vm15 =	vgt.u32 v13, v52  }
0x157: {  	v43 =	vld [tilespmem:$0x19B20];
	v46 =	vpop (erf);
	v18 =	vmax.f32 v18, $9.999999970e-07;
	v50 =	vsel vm0, $0x3F800000, v0;
	v19 =	vsub.f32 v47, v14  }
0x158: {  	v44 =	vld [tilespmem:$0x19C20];
	v47 =	vmax.f32 v11, v62;
	v16 =	vmul.f32 v46, v16;
	(erf) = vrcp.f32 v18  }
0x159: {  	v24 =	vmax.f32 v24, v50;
	v53 =	vpop (erf);
	v18 =	vadd.f32 s29, v49;
	v22 =	vmin.f32 v10, v33  }
0x15a: {  	v52 =	vld [tilespmem:$0x19940];
	v55 =	vmul.f32 v53, v17;
	v56 =	vmax.f32 v19, $9.999999970e-07;
	v19 =	vmin.f32 v10, v57  }
0x15b: {  	v35 =	vld [tilespmem:$0x19B10];
	v17 =	vmin.f32 v8, v59;
	vm0 =	vge.f32 v16, v4;
	v19 =	vsub.f32 v19, v37  }
0x15c: {  	v48 =	vld [tilespmem:$0x19930];
	(erf) = vrcp.f32 v56;
	v17 =	vsub.f32 v17, v27;
	v42 =	vsub.f32 v18, v20  }
0x15d: {  	v49 =	vld [tilespmem:$0x19A30];
	v16 =	vadd.f32 s29, v61;
	v18 =	vmin.f32 v8, v43;
	v59 =	vadd.f32 s29, v44  }
0x15e: {  	v50 =	vld [tilespmem:$0x19B30];
	vm0 =	vmand vm15, vm0;
	vm15 =	vgt.u32 v13, v58;
	v18 =	vsub.f32 v18, v30  }
0x15f: {  	v36 =	vld [tilespmem:$0x19C10];
	v63 =	vmax.f32 v9, v52;
	v60 =	vsel vm0, $0x3F800000, v0;
	vm0 =	vge.f32 v55, v4  }
0x160: {  	v31 =	vld [tilespmem:$0x19C40];
	v19 =	vmax.f32 v19, $0.0e+00;
	v17 =	vmax.f32 v17, $0.0e+00;
	v45 =	vmax.f32 v42, $9.999999970e-07  }
0x161: {  	v24 =	vmax.f32 v24, v60;
	vm0 =	vmand vm15, vm0;
	(erf) = vrcp.f32 v45  }
0x162: {  	v62 =	vld [tilespmem:$0x19C30];
	v18 =	vmax.f32 v18, $0.0e+00;
	v57 =	vmin.f32 v10, v49;
	v29 =	vsel vm0, $0x3F800000, v0  }
0x163: {  	v46 =	vld [tilespmem:$0x19830];
	v60 =	vmax.f32 v9, v48;
	v61 =	vmin.f32 v8, v50;
	v23 =	vmax.f32 v24, v29;
	v34 =	vpop (erf)  }
0x164: {  	v55 =	vld [tilespmem:$0x19A40];
	v29 =	vmin.f32 v8, v35;
	v24 =	vadd.f32 s29, v36;
	v15 =	vmul.f32 v34, v15  }
0x165: {  	v18 =	vmul.f32 v18, v21;
	v36 =	vadd.f32 s29, v31;
	v28 =	vsub.f32 v29, v28  }
0x166: {  	v56 =	vld [tilespmem:$0x19B40];
	v39 =	vpop (erf);
	vm0 =	vge.f32 v15, v4;
	v15 =	vmul.f32 v17, v19;
	v19 =	vsub.f32 v22, v47  }
0x167: {  	v28 =	vmax.f32 v28, $0.0e+00;
	v34 =	vadd.f32 s29, v62;
	v14 =	vmul.f32 v39, v14  }
0x168: {  	v17 =	vmax.f32 v11, v46;
	v22 =	vsub.f32 v59, v18;
	v19 =	vmax.f32 v19, $0.0e+00  }
0x169: {  	v17 =	vsub.f32 v57, v17;
	v54 =	vmul.f32 v28, v19;
	v19 =	vmin.f32 v10, v55  }
0x16a: {  	vm15 =	vge.f32 v14, v4;
	v53 =	vsub.f32 v16, v15;
	v19 =	vsub.f32 v19, v26  }
0x16b: {  	v28 =	vmin.f32 v8, v56;
	v58 =	vsub.f32 v24, v54;
	v24 =	vsub.f32 v61, v60  }
0x16c: {  	v17 =	vmax.f32 v17, $0.0e+00;
	v14 =	vmax.f32 v53, $9.999999970e-07;
	v32 =	vsub.f32 v28, v63  }
0x16d: {  	(erf) = vrcp.f32 v14;
	v19 =	vmax.f32 v19, $0.0e+00;
	v24 =	vmax.f32 v24, $0.0e+00  }
0x16e: {  	v14 =	vmax.f32 v32, $0.0e+00;
	v21 =	vmax.f32 v58, $9.999999970e-07;
	v17 =	vmul.f32 v24, v17  }
0x16f: {  	v33 =	vmax.f32 v22, $9.999999970e-07;
	v14 =	vmul.f32 v14, v19;
	(erf) = vrcp.f32 v21  }
0x170: {  	v40 =	vor.u32 $0x70, v3;
	(erf) = vrcp.f32 v33;
	v22 =	vsub.f32 v34, v17  }
0x171: {  	v51 =	vor.u32 $0x90, v3;
	v37 =	vor.u32 $0x60, v3;
	v38 =	vsub.f32 v36, v14  }
0x172: {  	v47 =	vor.u32 $0x80, v3;
	v59 =	vor.u32 $0xB0, v3;
	v35 =	vpop (erf);
	v39 =	vmax.f32 v22, $9.999999970e-07  }
0x173: {  	v19 =	vmul.f32 v35, v20;
	v20 =	vmax.f32 v38, $9.999999970e-07;
	(erf) = vrcp.f32 v39  }
0x174: {  	vm0 =	vmand vm1, vm0;
	vm1 =	vgt.u32 v13, v37;
	(erf) = vrcp.f32 v20  }
0x175: {  	v41 =	vsel vm0, $0x3F800000, v0;
	vm0 =	vgt.u32 v13, v40;
	vm1 =	vmand vm1, vm15  }
0x176: {  	v43 =	vmax.f32 v23, v41;
	v44 =	vsel vm1, $0x3F800000, v0;
	vm1 =	vgt.u32 v13, v47;
	v42 =	vpop (erf)  }
0x177: {  	v60 =	vor.u32 $0xC0, v3;
	vm15 =	vge.f32 v19, v4;
	v15 =	vmul.f32 v42, v15  }
0x178: {  	v53 =	vor.u32 $0xA0, v3;
	vm0 =	vmand vm0, vm15;
	vm15 =	vgt.u32 v13, v60;
	v46 =	vpop (erf)  }
0x179: {  	v45 =	vsel vm0, $0x3F800000, v0;
	vm0 =	vge.f32 v15, v4;
	v48 =	vpop (erf);
	v49 =	vmul.f32 v46, v54  }
0x17a: {  	v20 =	vmax.f32 v43, v44;
	vm0 =	vmand vm1, vm0;
	v50 =	vmul.f32 v48, v18  }
0x17b: {  	v52 =	vsel vm0, $0x3F800000, v0;
	vm0 =	vgt.u32 v13, v51;
	vm1 =	vge.f32 v49, v4  }
0x17c: {  	v20 =	vmax.f32 v20, v45;
	vm0 =	vmand vm0, vm1;
	vm1 =	vge.f32 v50, v4;
	v54 =	vpop (erf)  }
0x17d: {  	v55 =	vsel vm0, $0x3F800000, v0;
	vm0 =	vgt.u32 v13, v53;
	v56 =	vmul.f32 v54, v17;
	v57 =	vpop (erf)  }
0x17e: {  	v15 =	vmax.f32 v20, v52;
	vm0 =	vmand vm0, vm1;
	v14 =	vmul.f32 v57, v14  }
0x17f: {  	vm1 =	vgt.u32 v13, v59;
	v58 =	vsel vm0, $0x3F800000, v0;
	vm0 =	vge.f32 v56, v4  }
0x180: {  	v15 =	vmax.f32 v15, v55;
	vm0 =	vmand vm1, vm0;
	vm1 =	vge.f32 v14, v4  }
0x181: {  	v62 =	vmax.f32 v15, v58;
	v61 =	vsel vm0, $0x3F800000, v0;
	vm0 =	vmand vm15, vm1  }
0x182: {  	v13 =	vmax.f32 v62, v61;
	v63 =	vsel vm0, $0x3F800000, v0  }
0x183: {  	v13 =	vmax.f32 v13, v63  }
0x184: {  	(xrf0) =	vmax.scan.msk.f32 $0xffff, v13;
	_ =	sdelay $0x5  }
0x185: {  	v13, _, _ =	vpop (xrf0)  }
0x186: {  	(v2sf) =	vpush v13, $0xF;
	_ =	sdelay $0x7  }
0x187: {  	p4 =	sgt.f32 s25, $-Inf;
	p5 =	slt.f32 s25, $-Inf  }
0x188: {  	_ = 	snop  }
0x189: {  	p0 =	por p4, p5  }
0x18a: {  	p0 =	por !p0, !p0  }
0x18b: {  	v13 =	vlaneseq.u32 @!p0  }
0x18c: {  	vm0 =	veq.s32 @!p0 v12, v13  }
0x18d: {  	v7 =	vsel @!p0 vm0, $0xFF800000, v7  }
0x18e: {  	(xrf0) =	vmax.scan.msk.f32 @!p0 $0xffff, v7;
	s25 =	spop (v2sf)  }
0x18f: {  	p6 =	seq.f32 s25, $0.0e+00;
	_ =	sdelay $0x1  }
0x190: {  	p1 =	por !p4, !p6  }
0x191: {  	p1 =	por !p1, !p1  }
0x192: {  	s0 =	sand.u32 @p1 $0xF0, s31  }
0x193: {  	s1 =	sxor.u32 $0x80000000, s28;
	v14, _, _ =	vpop @!p0 (xrf0);
	v12 =	vld @p1 [tilespmem:s0+$0x19600]  }
0x194: {  	v16 =	vmov @!p0 s1;
	v14 =	vbroadcast @!p0 v14, $0xF;
	v15 =	vld @p1 [tilespmem:s0+$0x19780]  }
0x195: {  	vm0 =	veq.s32 @!p0 v16, v13;
	s1 =	sand.u32 @p1 $0xF, s31;
	v17 =	vld @p1 [tilespmem:s0+$0x19880]  }
0x196: {  	v6 =	vsel @!p0 vm0, v14, v6;
	v18 =	vlaneseq.u32 @p1;
	v16 =	vmov @p1 s1;
	v14 =	vld @p1 [tilespmem:s0+$0x19980]  }
0x197: {  	s1 =	sadd.s32 @p1 s26, s24;
	vm0 =	veq.s32 @p1 v16, v18;
	v16 =	vld @p1 [tilespmem:s0+$0x19A80]  }
0x198: {  	v18 =	vld @p1 [tilespmem:s0+$0x19B80];
	v12 =	vsel @p1 vm0, s1, v12  }
0x199: {  	v11 =	vsel @p1 vm0, v11, v15;
	[tilespmem:s0+$0x19600] =	vst @p1 v12  }
0x19a: {  	(xrf0) =	vmax.scan.msk.f32 @!p0 $0xffff, v6;
	v9 =	vsel @p1 vm0, v9, v17;
	[tilespmem:s0+$0x19780] =	vst @p1 v11  }
0x19b: {  	p2 =	por !p1, p0;
	s1 =	simm.s32 @!p0 $0x1;
	[tilespmem:s0+$0x19880] =	vst @p1 v9;
	v9 =	vsel @p1 vm0, v10, v14  }
0x19c: {  	v10 =	vmov s29;
	v8 =	vsel @p1 vm0, v8, v16;
	s1 =	simm.s32 @p2 $0x0;
	[tilespmem:s0+$0x19980] =	vst @p1 v9  }
0x19d: {  	s30 =	smov.u32 s31;
	[tilespmem:s0+$0x19A80] =	vst @p1 v8;
	v8 =	vsel @p1 vm0, v10, v18;
	s31 =	sadd.s32 @!p0 s1, s31  }
0x19e: {  	[tilespmem:s0+$0x19B80] =	vst @p1 v8;
	p1 =	slt.u32 @!p0 s31, $0xC8  }
0x19f: {  	p1 =	por p0, !p1  }
.Ltmp4:
0x1a0: {  	s23 =	sxor.u32 $0x80000000, s23;
	v9, _, _ =	vpop @!p0 (xrf0);
	(pc) =	sbr.rel @!p1 .LBB2_7-.Ltmp4, $4  }
0x1a1: {  	v8 =	vmov @!p0 s23;
	v9 =	vbroadcast @!p0 v9, $0xF  }
0x1a2: {  	[tilespmem:s24+$0x14000] =	vst @!p0 v7;
	vm0 =	veq.s32 @!p0 v8, v13  }
0x1a3: {  	[tilespmem:s22+$0x19000] =	vst @!p0 v6;
	v5 =	vsel @!p0 vm0, v9, v5  }
0x1a4: {  	[tilespmem:s21+$0x19500] =	vst @!p0 v5  }
0x1a5: {  	s31 =	smov.u32 @p0 s30  }
0x1a6: {  	vm0 =	vcmask $0x300;
	v4 =	vmov s31  }
0x1a7: {  	v4 =	vnsel vm0, $0x0, v4  }
0x1a8: {  	[tilespmem:$0x19700] =	vst v4  }
0x1a9: {  	[hbm4b:s3+s11] =	stream.linear.scatter [tilespmem:s18], [sflag:$0x1], $0x100, $0x38;
	[tilespmem:$0x19C80] =	vst v63  }
0x1aa: {  	_ =	swait.ge [sflag:s12], $0x100  }
0x1ab: {  	[sflag:s12] =	ssyncset.done $0x0  }
0x1ac: {  	[sflag:s12] =	ssyncadd.s32 $0xFFFFFF00  }
0x1ad: {  	[hbm4b:s9+s11] =	stream.linear.scatter [tilespmem:s19], [sflag:$0x1], $0x80, $0x38;
	[tilespmem:$0x19C80] =	vst v63  }
0x1ae: {  	_ =	swait.ge [sflag:s12], $0x80  }
0x1af: {  	v4 =	vld [tilespmem:$0x1FFF0];
	_ =	sdelay $0x3  }
0x1b0: {  	s20 =	sadd.s32 $0x1, s20  }
0x1b1: {  	p0 =	sne.s32 s20, s10;
	vm1 =	vnez.u8 v4;
	v4 =	vld [tilespmem:$0x1FFE0]  }
.Ltmp5:
0x1b2: {  	_ = 	snop;
	(pc) =	sbr.rel @p0 .LBB2_2-.Ltmp5, $3  }
0x1b3: {  	_ =	sdelay $0x1  }
0x1b4: {  	[sflag:s12] =	ssyncset.done $0x0  }
0x1b5: {  	[sflag:s12] =	ssyncadd.s32 $0xFFFFFF80;
	vm0 =	vnez.u8 v4  }
.LBB2_9:
0x1b6: {  	_ =	sfence.sel $0x180000  }
0x1b7: {  	[bflag:$0x0] =	sbarrier.arrive $0xFFFF  }
0x1b8: {  	_ =	strace $0x90000047  }
0x1b9: {  	s0 =	stileid.u32;
	[bflag:$0x2] =	sbarrier.arrive $0xFFFF  }
0x1ba: {  	p0 =	sne.s32 s0, $0x0;
	s0 =	rddreg [dreg:$0x3]  }
0x1bb: {  	s0 =	sadd.s32 @!p0 $0x100000, s0  }
0x1bc: {  	[sflag:s0] =	ssyncadd.tile.s32 @!p0 $0x1;
	_ =	shalt  }
.Lfunc_end2:
_tile_overlayer_lowered:
.L_overlay_start_2:
0x1bd: {  	(tag) =	ssettag $0x2  }
0x1be: {  	s0 =	rddreg [dreg:$0x0];
	s2 =	stileid.u32  }
0x1bf: {  	s1 =	rddreg [dreg:$0x1];
	p0 =	sne.s32 s2, $0x0  }
0x1c0: {  	s3 =	rddreg [dreg:$0x2];
	[bflag:$0x3] =	sbarrier.arrive $0xFFFF;
	s2 =	simm.s32 @!p0 $0x1C01  }
0x1c1: {  	[timem:s3], [sflag:s2] =	dma.local @!p0 [hbm:s0], s1  }
0x1c2: {  	s0 =	simm.s32 @!p0 $0x1  }
0x1c3: {  	_ =	swait.ge @!p0 [sflag:s0], s1  }
0x1c4: {  	s1 =	ssub.s32 @!p0 $0x0, s1;
	[sflag:s0] =	ssyncset.done @!p0 $0x0  }
0x1c5: {  	[sflag:s0] =	ssyncadd.s32 @!p0 s1  }
0x1c6: {  	[bflag:$0x3] =	sbarrier.arrive $0xFFFF  }
0x1c7: {  	_ =	shalt  }

</sc_bundles>
